<compile_context>
chip_gen: v7x
topology: tpu7x:2x2x1
jax: 0.10.2.dev20260603
libtpu: 0.0.44.dev20260713+nightly
codegen_flags: <defaults>
</compile_context>

<pallas_src>
import functools
import numpy as np
import jax
import jax.numpy as jnp
from jax import lax
from jax.experimental import pallas as pl
from jax.experimental.pallas import tpu as pltpu
from jax.experimental.pallas import tpu_sc as plsc

_C, _D, _H, _W = 4, 128, 224, 224
_NS = 64
_DBLK = 32
_NK = _D // _DBLK

_AX = np.linspace(0, _D - 1, _NS).astype(np.int32)
_SG = np.linspace(0, _W - 1, _NS).astype(np.int32)
_CO = np.linspace(0, _H - 1, _NS).astype(np.int32)
assert all(int(_SG[s]) == (s * (_W - 1)) // (_NS - 1) for s in range(_NS))
assert all(int(_CO[s]) == (s * (_H - 1)) // (_NS - 1) for s in range(_NS))
assert all(int(_AX[s]) == (2 * s if s < 63 else 127) for s in range(_NS))

_NW = 32
_SPW = (_C * _NS) // _NW


def _ax_body(vol, ax, buf):
    wid = lax.axis_index("s") * 2 + lax.axis_index("c")

    def do_i(i, _):
        sl = wid * _SPW + i
        c = sl // _NS
        s = sl % _NS
        d = jnp.where(s == _NS - 1, _D - 1, 2 * s)
        pltpu.sync_copy(vol.at[c, d], buf)
        pltpu.sync_copy(buf, ax.at[c, s])
        return 0

    lax.fori_loop(0, _SPW, do_i, 0)


def _sc_axial(volume):
    mesh = plsc.VectorSubcoreMesh(core_axis_name="c", subcore_axis_name="s")
    k = functools.partial(
        pl.kernel,
        mesh=mesh,
        out_type=jax.ShapeDtypeStruct((_C, _NS, _H, _W), jnp.float32),
        scratch_types=[pltpu.VMEM((_H, _W), jnp.float32)],
        compiler_params=pltpu.CompilerParams(needs_layout_passes=False),
    )(_ax_body)
    return k(volume)


def _tc_body(vol_ref, sag_ref, cor_ref, tp_ref):
    for p in range(_DBLK):
        tp_ref[p] = vol_ref[0, p].T
    for s in range(_NS):
        sag_ref[0, s, :, :] = tp_ref[:, int(_SG[s]), :]
    for s in range(_NS):
        cor_ref[0, s, :, :] = vol_ref[0, :, int(_CO[s]), :]


def _tc_sag_cor(volume):
    return pl.pallas_call(
        _tc_body,
        grid=(_C, _NK),
        in_specs=[
            pl.BlockSpec((1, _DBLK, _H, _W), lambda c, k: (c, k, 0, 0)),
        ],
        out_specs=[
            pl.BlockSpec((1, _NS, _DBLK, _H), lambda c, k: (c, 0, k, 0)),
            pl.BlockSpec((1, _NS, _DBLK, _W), lambda c, k: (c, 0, k, 0)),
        ],
        out_shape=[
            jax.ShapeDtypeStruct((_C, _NS, _D, _H), jnp.float32),
            jax.ShapeDtypeStruct((_C, _NS, _D, _W), jnp.float32),
        ],
        scratch_shapes=[pltpu.VMEM((_DBLK, _W, _H), jnp.float32)],
        compiler_params=pltpu.CompilerParams(
            dimension_semantics=("parallel", "parallel")),
    )(volume)


@jax.jit
def kernel(volume):
    sagittal, coronal = _tc_sag_cor(volume)
    axial = _sc_axial(volume)
    return (axial, sagittal, coronal)

# --- scband reference (transcript-rebuilt; emitter-appended) ---
"""Pipeline reference for scband-multi-plane-slice-extractor-15006615733374 (READ-ONLY COPY).

The authoritative reference and input builder live on the scoring server;
editing this copy changes nothing except your own understanding.
"""

import jax, jax.numpy as jnp
import numpy as np

C, D, H, W = 4, 128, 224, 224
NUM_SLICES = 64


def _plane_indices(dim_size, num_slices):
    return jnp.asarray(np.linspace(0, dim_size - 1, num_slices).astype(np.int32))


def setup_inputs(seed: int = 0) -> dict:
    key = jax.random.key(seed)
    volume = jax.random.normal(key, (C, D, H, W), dtype=jnp.float32)
    return {"volume": volume}


def reference(volume):
    c, d, h, w = volume.shape
    # axial: gather along D -> (C, num, H, W)
    ax_idx = _plane_indices(d, NUM_SLICES)
    axial = jnp.take(volume, ax_idx, axis=1)
    # sagittal: gather along W, stacked at dim 1 -> (C, num, D, H)
    sg_idx = _plane_indices(w, NUM_SLICES)
    sagittal = jnp.transpose(jnp.take(volume, sg_idx, axis=3), (0, 3, 1, 2))
    # coronal: gather along H, stacked at dim 1 -> (C, num, D, W)
    co_idx = _plane_indices(h, NUM_SLICES)
    coronal = jnp.transpose(jnp.take(volume, co_idx, axis=2), (0, 2, 1, 3))
    return (axial, sagittal, coronal)

if __name__ == "__main__":
    import jax
    _d = setup_inputs()
    print(jax.jit(kernel)(*tuple(_d.values())))

</pallas_src>

<mosaic_0001>
#map = affine_map<(d0, d1) -> (0, 0, 0, 0)>
module attributes {stable_mosaic.version = 14 : i64} {
  func.func @_ax_body(%arg0: i32, %arg1: i32, %arg2: memref<4x128x224x224xf32, #tpu.memory_space<hbm>>, %arg3: memref<4x64x224x224xf32, #tpu.memory_space<hbm>>, %arg4: memref<224x224xf32, #tpu.memory_space<vmem>>) attributes {dimension_semantics = [#tpu.dimension_semantics<core_parallel>, #tpu.dimension_semantics<subcore_parallel>], iteration_bounds = array<i64: 2, 16>, scalar_prefetch = 0 : i64, scratch_operands = 1 : i64, tpu.core_type = #tpu.core_type<sc_vector_subcore>, window_params = [{transform_indices = #map}, {transform_indices = #map}]} {
    %mul3A = arith.constant 2 : i32
    %mul3A_0 = arith.muli %arg1, %mul3A : i32
    %add3A = arith.addi %mul3A_0, %arg0 : i32
    %scan3A = arith.constant 0 : i32
    %scan3A_1 = arith.constant 0 : i32
    %scan3A_2 = arith.constant 8 : i32
    %scan3A_3 = arith.addi %scan3A_1, %scan3A_2 : i32
    %scan3A_4 = arith.constant 1 : i32
    %scan3A_5 = scf.for %scan3A_7 = %scan3A_1 to %scan3A_3 step %scan3A_4 iter_args(%scan3A_8 = %scan3A) -> (i32)  : i32 {
      %mul3A_9 = arith.constant 8 : i32
      %mul3A_10 = arith.muli %add3A, %mul3A_9 : i32
      %add3A_11 = arith.addi %mul3A_10, %scan3A_7 : i32
      %jit3A = arith.constant 64 : i32
      %div3A = arith.divsi %add3A_11, %jit3A : i32
      %sign3A = arith.constant 0 : i32
      %sign3A_12 = arith.cmpi sgt, %add3A_11, %sign3A : i32
      %sign3A_13 = arith.extui %sign3A_12 : i1 to i32
      %sign3A_14 = arith.constant 0 : i32
      %sign3A_15 = arith.cmpi slt, %add3A_11, %sign3A_14 : i32
      %sign3A_16 = arith.extui %sign3A_15 : i1 to i32
      %sign3A_17 = arith.subi %sign3A_13, %sign3A_16 : i32
      %sign3A_18 = arith.constant 0 : i32
      %sign3A_19 = arith.cmpi sgt, %jit3A, %sign3A_18 : i32
      %sign3A_20 = arith.extui %sign3A_19 : i1 to i32
      %sign3A_21 = arith.constant 0 : i32
      %sign3A_22 = arith.cmpi slt, %jit3A, %sign3A_21 : i32
      %sign3A_23 = arith.extui %sign3A_22 : i1 to i32
      %sign3A_24 = arith.subi %sign3A_20, %sign3A_23 : i32
      %ne3A = arith.cmpi ne, %sign3A_17, %sign3A_24 : i32
      %rem3A = arith.remsi %add3A_11, %jit3A : i32
      %ne3A_25 = arith.constant 0 : i32
      %ne3A_26 = arith.cmpi ne, %rem3A, %ne3A_25 : i32
      %and3A = arith.andi %ne3A, %ne3A_26 : i1
      %sub3A = arith.constant 1 : i32
      %sub3A_27 = arith.subi %div3A, %sub3A : i32
      %select_n3A = arith.select %and3A, %sub3A_27, %div3A : i32
      %jit3A_28 = arith.constant 64 : i32
      %eq3A = arith.constant 0 : i32
      %eq3A_29 = arith.cmpi eq, %jit3A_28, %eq3A : i32
      %jit3A_30 = arith.constant 1 : i32
      %select_n3A_31 = arith.select %eq3A_29, %jit3A_30, %jit3A_28 : i32
      %rem3A_32 = arith.remsi %add3A_11, %select_n3A_31 : i32
      %ne3A_33 = arith.constant 0 : i32
      %ne3A_34 = arith.cmpi ne, %rem3A_32, %ne3A_33 : i32
      %lt3A = arith.constant 0 : i32
      %lt3A_35 = arith.cmpi slt, %rem3A_32, %lt3A : i32
      %lt3A_36 = arith.constant 0 : i32
      %lt3A_37 = arith.cmpi slt, %select_n3A_31, %lt3A_36 : i32
      %ne3A_38 = arith.xori %lt3A_35, %lt3A_37 : i1
      %and3A_39 = arith.andi %ne3A_38, %ne3A_34 : i1
      %add3A_40 = arith.addi %rem3A_32, %select_n3A_31 : i32
      %select_n3A_41 = arith.select %and3A_39, %add3A_40, %rem3A_32 : i32
      %eq3A_42 = arith.constant 63 : i32
      %eq3A_43 = arith.cmpi eq, %select_n3A_41, %eq3A_42 : i32
      %mul3A_44 = arith.constant 2 : i32
      %mul3A_45 = arith.muli %mul3A_44, %select_n3A_41 : i32
      %jit3A_46 = arith.constant 127 : i32
      %select_n3A_47 = arith.select %eq3A_43, %jit3A_46, %mul3A_45 : i32
      "tpu.region"() ({
        %run_scoped3A = tpu.sem_alloc : memref<!tpu.dma_semaphore, #tpu.memory_space<semaphore_mem>>
        %dma_start3A = arith.constant 0 : i32
        %dma_start3A_49 = arith.constant 0 : i32
        %dma_start3A_50 = tpu.memref_slice %arg2[%select_n3A, %select_n3A_47, %dma_start3A, %dma_start3A_49] : memref<4x128x224x224xf32, #tpu.memory_space<hbm>> -> memref<1x1x224x224xf32, #tpu.memory_space<hbm>>
        %dma_start3A_51 = tpu.memref_squeeze %dma_start3A_50 : memref<1x1x224x224xf32, #tpu.memory_space<hbm>> -> memref<224x224xf32, #tpu.memory_space<hbm>>
        %dma_start3A_52 = arith.constant 0 : i32
        %dma_start3A_53 = arith.constant 0 : i32
        %dma_start3A_54 = tpu.memref_slice %arg2[%select_n3A, %select_n3A_47, %dma_start3A_52, %dma_start3A_53] : memref<4x128x224x224xf32, #tpu.memory_space<hbm>> -> memref<1x1x224x224xf32, #tpu.memory_space<hbm>>
        %dma_start3A_55 = tpu.memref_squeeze %dma_start3A_54 : memref<1x1x224x224xf32, #tpu.memory_space<hbm>> -> memref<224x224xf32, #tpu.memory_space<hbm>>
        tpu.enqueue_dma source(%dma_start3A_55 : memref<224x224xf32, #tpu.memory_space<hbm>>) target(%arg4 : memref<224x224xf32, #tpu.memory_space<vmem>>) target_semaphore(%run_scoped3A : memref<!tpu.dma_semaphore, #tpu.memory_space<semaphore_mem>>)
        %dma_wait3A = arith.constant 0 : i32
        %dma_wait3A_56 = arith.constant 0 : i32
        %dma_wait3A_57 = tpu.memref_slice %arg2[%select_n3A, %select_n3A_47, %dma_wait3A, %dma_wait3A_56] : memref<4x128x224x224xf32, #tpu.memory_space<hbm>> -> memref<1x1x224x224xf32, #tpu.memory_space<hbm>>
        %dma_wait3A_58 = tpu.memref_squeeze %dma_wait3A_57 : memref<1x1x224x224xf32, #tpu.memory_space<hbm>> -> memref<224x224xf32, #tpu.memory_space<hbm>>
        %dma_wait3A_59 = arith.constant 0 : i32
        %dma_wait3A_60 = arith.constant 0 : i32
        %dma_wait3A_61 = tpu.memref_slice %arg2[%select_n3A, %select_n3A_47, %dma_wait3A_59, %dma_wait3A_60] : memref<4x128x224x224xf32, #tpu.memory_space<hbm>> -> memref<1x1x224x224xf32, #tpu.memory_space<hbm>>
        %dma_wait3A_62 = tpu.memref_squeeze %dma_wait3A_61 : memref<1x1x224x224xf32, #tpu.memory_space<hbm>> -> memref<224x224xf32, #tpu.memory_space<hbm>>
        tpu.wait_dma2 semaphore(%run_scoped3A : memref<!tpu.dma_semaphore, #tpu.memory_space<semaphore_mem>>) src(%dma_wait3A_62 : memref<224x224xf32, #tpu.memory_space<hbm>>) dst(%arg4 : memref<224x224xf32, #tpu.memory_space<vmem>>)
        tpu.yield
      }) : () -> ()
      "tpu.region"() ({
        %run_scoped3A = tpu.sem_alloc : memref<!tpu.dma_semaphore, #tpu.memory_space<semaphore_mem>>
        %dma_start3A = arith.constant 0 : i32
        %dma_start3A_49 = arith.constant 0 : i32
        %dma_start3A_50 = tpu.memref_slice %arg3[%select_n3A, %select_n3A_41, %dma_start3A, %dma_start3A_49] : memref<4x64x224x224xf32, #tpu.memory_space<hbm>> -> memref<1x1x224x224xf32, #tpu.memory_space<hbm>>
        %dma_start3A_51 = tpu.memref_squeeze %dma_start3A_50 : memref<1x1x224x224xf32, #tpu.memory_space<hbm>> -> memref<224x224xf32, #tpu.memory_space<hbm>>
        %dma_start3A_52 = arith.constant 0 : i32
        %dma_start3A_53 = arith.constant 0 : i32
        %dma_start3A_54 = tpu.memref_slice %arg3[%select_n3A, %select_n3A_41, %dma_start3A_52, %dma_start3A_53] : memref<4x64x224x224xf32, #tpu.memory_space<hbm>> -> memref<1x1x224x224xf32, #tpu.memory_space<hbm>>
        %dma_start3A_55 = tpu.memref_squeeze %dma_start3A_54 : memref<1x1x224x224xf32, #tpu.memory_space<hbm>> -> memref<224x224xf32, #tpu.memory_space<hbm>>
        tpu.enqueue_dma source(%arg4 : memref<224x224xf32, #tpu.memory_space<vmem>>) target(%dma_start3A_55 : memref<224x224xf32, #tpu.memory_space<hbm>>) target_semaphore(%run_scoped3A : memref<!tpu.dma_semaphore, #tpu.memory_space<semaphore_mem>>)
        %dma_wait3A = arith.constant 0 : i32
        %dma_wait3A_56 = arith.constant 0 : i32
        %dma_wait3A_57 = tpu.memref_slice %arg3[%select_n3A, %select_n3A_41, %dma_wait3A, %dma_wait3A_56] : memref<4x64x224x224xf32, #tpu.memory_space<hbm>> -> memref<1x1x224x224xf32, #tpu.memory_space<hbm>>
        %dma_wait3A_58 = tpu.memref_squeeze %dma_wait3A_57 : memref<1x1x224x224xf32, #tpu.memory_space<hbm>> -> memref<224x224xf32, #tpu.memory_space<hbm>>
        %dma_wait3A_59 = arith.constant 0 : i32
        %dma_wait3A_60 = arith.constant 0 : i32
        %dma_wait3A_61 = tpu.memref_slice %arg3[%select_n3A, %select_n3A_41, %dma_wait3A_59, %dma_wait3A_60] : memref<4x64x224x224xf32, #tpu.memory_space<hbm>> -> memref<1x1x224x224xf32, #tpu.memory_space<hbm>>
        %dma_wait3A_62 = tpu.memref_squeeze %dma_wait3A_61 : memref<1x1x224x224xf32, #tpu.memory_space<hbm>> -> memref<224x224xf32, #tpu.memory_space<hbm>>
        tpu.wait_dma2 semaphore(%run_scoped3A : memref<!tpu.dma_semaphore, #tpu.memory_space<semaphore_mem>>) src(%arg4 : memref<224x224xf32, #tpu.memory_space<vmem>>) dst(%dma_wait3A_62 : memref<224x224xf32, #tpu.memory_space<hbm>>)
        tpu.yield
      }) : () -> ()
      %scan3A_48 = arith.constant 0 : i32
      scf.yield %scan3A_48 : i32
    }
    %scan3A_6 = arith.constant 8 : i32
    return
  }
}

module attributes {stable_mosaic.version = 14 : i64} {
  func.func @_tc_body(%arg0: i32, %arg1: i32, %arg2: memref<1x32x224x224xf32, #tpu.memory_space<vmem>>, %arg3: memref<1x64x32x224xf32, #tpu.memory_space<vmem>>, %arg4: memref<1x64x32x224xf32, #tpu.memory_space<vmem>>, %arg5: memref<32x224x224xf32, #tpu.memory_space<vmem>>) attributes {dimension_semantics = [#tpu.dimension_semantics<parallel>, #tpu.dimension_semantics<parallel>], iteration_bounds = array<i64: 4, 4>, scalar_prefetch = 0 : i64, scratch_operands = 1 : i64, tpu.core_type = #tpu.core_type<tc>, window_params = [{transform_indices = @transform_0, window_bounds = array<i64: 1, 32, 224, 224>}, {transform_indices = @transform_1, window_bounds = array<i64: 1, 64, 32, 224>}, {transform_indices = @transform_2, window_bounds = array<i64: 1, 64, 32, 224>}]} {
    %get3A = arith.constant 0 : index
    %get3A_0 = arith.constant 0 : index
    %get3A_1 = arith.constant 0 : index
    %get3A_2 = arith.constant 0 : index
    %get3A_3 = vector.load %arg2[%get3A, %get3A_0, %get3A_1, %get3A_2] : memref<1x32x224x224xf32, #tpu.memory_space<vmem>>, vector<1x1x224x224xf32>
    %get3A_4 = vector.shape_cast %get3A_3 : vector<1x1x224x224xf32> to vector<224x224xf32>
    %transpose3A = tpu.transpose %get3A_4, [1, 0] : vector<224x224xf32> -> vector<224x224xf32>
    %swap3A = arith.constant 0 : index
    %swap3A_5 = arith.constant 0 : index
    %swap3A_6 = arith.constant 0 : index
    %swap3A_7 = vector.load %arg5[%swap3A, %swap3A_5, %swap3A_6] : memref<32x224x224xf32, #tpu.memory_space<vmem>>, vector<1x224x224xf32>
    %swap3A_8 = vector.shape_cast %swap3A_7 : vector<1x224x224xf32> to vector<224x224xf32>
    %swap3A_9 = vector.shape_cast %transpose3A : vector<224x224xf32> to vector<1x224x224xf32>
    tpu.vector_store %arg5[%swap3A, %swap3A_5, %swap3A_6], %swap3A_9 {strides = array<i32>} : memref<32x224x224xf32, #tpu.memory_space<vmem>>, vector<1x224x224xf32>,
    %get3A_10 = arith.constant 0 : index
    %get3A_11 = arith.constant 1 : index
    %get3A_12 = arith.constant 0 : index
    %get3A_13 = arith.constant 0 : index
    %get3A_14 = vector.load %arg2[%get3A_10, %get3A_11, %get3A_12, %get3A_13] : memref<1x32x224x224xf32, #tpu.memory_space<vmem>>, vector<1x1x224x224xf32>
    %get3A_15 = vector.shape_cast %get3A_14 : vector<1x1x224x224xf32> to vector<224x224xf32>
    %transpose3A_16 = tpu.transpose %get3A_15, [1, 0] : vector<224x224xf32> -> vector<224x224xf32>
    %swap3A_17 = arith.constant 1 : index
    %swap3A_18 = arith.constant 0 : index
    %swap3A_19 = arith.constant 0 : index
    %swap3A_20 = vector.load %arg5[%swap3A_17, %swap3A_18, %swap3A_19] : memref<32x224x224xf32, #tpu.memory_space<vmem>>, vector<1x224x224xf32>
    %swap3A_21 = vector.shape_cast %swap3A_20 : vector<1x224x224xf32> to vector<224x224xf32>
    %swap3A_22 = vector.shape_cast %transpose3A_16 : vector<224x224xf32> to vector<1x224x224xf32>
    tpu.vector_store %arg5[%swap3A_17, %swap3A_18, %swap3A_19], %swap3A_22 {strides = array<i32>} : memref<32x224x224xf32, #tpu.memory_space<vmem>>, vector<1x224x224xf32>,
    %get3A_23 = arith.constant 0 : index
    %get3A_24 = arith.constant 2 : index
    %get3A_25 = arith.constant 0 : index
    %get3A_26 = arith.constant 0 : index
    %get3A_27 = vector.load %arg2[%get3A_23, %get3A_24, %get3A_25, %get3A_26] : memref<1x32x224x224xf32, #tpu.memory_space<vmem>>, vector<1x1x224x224xf32>
    %get3A_28 = vector.shape_cast %get3A_27 : vector<1x1x224x224xf32> to vector<224x224xf32>
    %transpose3A_29 = tpu.transpose %get3A_28, [1, 0] : vector<224x224xf32> -> vector<224x224xf32>
    %swap3A_30 = arith.constant 2 : index
    %swap3A_31 = arith.constant 0 : index
    %swap3A_32 = arith.constant 0 : index
    %swap3A_33 = vector.load %arg5[%swap3A_30, %swap3A_31, %swap3A_32] : memref<32x224x224xf32, #tpu.memory_space<vmem>>, vector<1x224x224xf32>
    %swap3A_34 = vector.shape_cast %swap3A_33 : vector<1x224x224xf32> to vector<224x224xf32>
    %swap3A_35 = vector.shape_cast %transpose3A_29 : vector<224x224xf32> to vector<1x224x224xf32>
    tpu.vector_store %arg5[%swap3A_30, %swap3A_31, %swap3A_32], %swap3A_35 {strides = array<i32>} : memref<32x224x224xf32, #tpu.memory_space<vmem>>, vector<1x224x224xf32>,
    %get3A_36 = arith.constant 0 : index
    %get3A_37 = arith.constant 3 : index
    %get3A_38 = arith.constant 0 : index
    %get3A_39 = arith.constant 0 : index
    %get3A_40 = vector.load %arg2[%get3A_36, %get3A_37, %get3A_38, %get3A_39] : memref<1x32x224x224xf32, #tpu.memory_space<vmem>>, vector<1x1x224x224xf32>
    %get3A_41 = vector.shape_cast %get3A_40 : vector<1x1x224x224xf32> to vector<224x224xf32>
    %transpose3A_42 = tpu.transpose %get3A_41, [1, 0] : vector<224x224xf32> -> vector<224x224xf32>
    %swap3A_43 = arith.constant 3 : index
    %swap3A_44 = arith.constant 0 : index
    %swap3A_45 = arith.constant 0 : index
    %swap3A_46 = vector.load %arg5[%swap3A_43, %swap3A_44, %swap3A_45] : memref<32x224x224xf32, #tpu.memory_space<vmem>>, vector<1x224x224xf32>
    %swap3A_47 = vector.shape_cast %swap3A_46 : vector<1x224x224xf32> to vector<224x224xf32>
    %swap3A_48 = vector.shape_cast %transpose3A_42 : vector<224x224xf32> to vector<1x224x224xf32>
    tpu.vector_store %arg5[%swap3A_43, %swap3A_44, %swap3A_45], %swap3A_48 {strides = array<i32>} : memref<32x224x224xf32, #tpu.memory_space<vmem>>, vector<1x224x224xf32>,
    %get3A_49 = arith.constant 0 : index
    %get3A_50 = arith.constant 4 : index
    %get3A_51 = arith.constant 0 : index
    %get3A_52 = arith.constant 0 : index
    %get3A_53 = vector.load %arg2[%get3A_49, %get3A_50, %get3A_51, %get3A_52] : memref<1x32x224x224xf32, #tpu.memory_space<vmem>>, vector<1x1x224x224xf32>
    %get3A_54 = vector.shape_cast %get3A_53 : vector<1x1x224x224xf32> to vector<224x224xf32>
    %transpose3A_55 = tpu.transpose %get3A_54, [1, 0] : vector<224x224xf32> -> vector<224x224xf32>
    %swap3A_56 = arith.constant 4 : index
    %swap3A_57 = arith.constant 0 : index
    %swap3A_58 = arith.constant 0 : index
    %swap3A_59 = vector.load %arg5[%swap3A_56, %swap3A_57, %swap3A_58] : memref<32x224x224xf32, #tpu.memory_space<vmem>>, vector<1x224x224xf32>
    %swap3A_60 = vector.shape_cast %swap3A_59 : vector<1x224x224xf32> to vector<224x224xf32>
    %swap3A_61 = vector.shape_cast %transpose3A_55 : vector<224x224xf32> to vector<1x224x224xf32>
    tpu.vector_store %arg5[%swap3A_56, %swap3A_57, %swap3A_58], %swap3A_61 {strides = array<i32>} : memref<32x224x224xf32, #tpu.memory_space<vmem>>, vector<1x224x224xf32>,
    %get3A_62 = arith.constant 0 : index
    %get3A_63 = arith.constant 5 : index
    %get3A_64 = arith.constant 0 : index
    %get3A_65 = arith.constant 0 : index
    %get3A_66 = vector.load %arg2[%get3A_62, %get3A_63, %get3A_64, %get3A_65] : memref<1x32x224x224xf32, #tpu.memory_space<vmem>>, vector<1x1x224x224xf32>
    %get3A_67 = vector.shape_cast %get3A_66 : vector<1x1x224x224xf32> to vector<224x224xf32>
    %transpose3A_68 = tpu.transpose %get3A_67, [1, 0] : vector<224x224xf32> -> vector<224x224xf32>
    %swap3A_69 = arith.constant 5 : index
    %swap3A_70 = arith.constant 0 : index
    %swap3A_71 = arith.constant 0 : index
    %swap3A_72 = vector.load %arg5[%swap3A_69, %swap3A_70, %swap3A_71] : memref<32x224x224xf32, #tpu.memory_space<vmem>>, vector<1x224x224xf32>
    %swap3A_73 = vector.shape_cast %swap3A_72 : vector<1x224x224xf32> to vector<224x224xf32>
    %swap3A_74 = vector.shape_cast %transpose3A_68 : vector<224x224xf32> to vector<1x224x224xf32>
    tpu.vector_store %arg5[%swap3A_69, %swap3A_70, %swap3A_71], %swap3A_74 {strides = array<i32>} : memref<32x224x224xf32, #tpu.memory_space<vmem>>, vector<1x224x224xf32>,
    %get3A_75 = arith.constant 0 : index
    %get3A_76 = arith.constant 6 : index
    %get3A_77 = arith.constant 0 : index
    %get3A_78 = arith.constant 0 : index
    %get3A_79 = vector.load %arg2[%get3A_75, %get3A_76, %get3A_77, %get3A_78] : memref<1x32x224x224xf32, #tpu.memory_space<vmem>>, vector<1x1x224x224xf32>
    %get3A_80 = vector.shape_cast %get3A_79 : vector<1x1x224x224xf32> to vector<224x224xf32>
    %transpose3A_81 = tpu.transpose %get3A_80, [1, 0] : vector<224x224xf32> -> vector<224x224xf32>
    %swap3A_82 = arith.constant 6 : index
    %swap3A_83 = arith.constant 0 : index
    %swap3A_84 = arith.constant 0 : index
    %swap3A_85 = vector.load %arg5[%swap3A_82, %swap3A_83, %swap3A_84] : memref<32x224x224xf32, #tpu.memory_space<vmem>>, vector<1x224x224xf32>
    %swap3A_86 = vector.shape_cast %swap3A_85 : vector<1x224x224xf32> to vector<224x224xf32>
    %swap3A_87 = vector.shape_cast %transpose3A_81 : vector<224x224xf32> to vector<1x224x224xf32>
    tpu.vector_store %arg5[%swap3A_82, %swap3A_83, %swap3A_84], %swap3A_87 {strides = array<i32>} : memref<32x224x224xf32, #tpu.memory_space<vmem>>, vector<1x224x224xf32>,
    %get3A_88 = arith.constant 0 : index
    %get3A_89 = arith.constant 7 : index
    %get3A_90 = arith.constant 0 : index
    %get3A_91 = arith.constant 0 : index
    %get3A_92 = vector.load %arg2[%get3A_88, %get3A_89, %get3A_90, %get3A_91] : memref<1x32x224x224xf32, #tpu.memory_space<vmem>>, vector<1x1x224x224xf32>
    %get3A_93 = vector.shape_cast %get3A_92 : vector<1x1x224x224xf32> to vector<224x224xf32>
    %transpose3A_94 = tpu.transpose %get3A_93, [1, 0] : vector<224x224xf32> -> vector<224x224xf32>
    %swap3A_95 = arith.constant 7 : index
    %swap3A_96 = arith.constant 0 : index
    %swap3A_97 = arith.constant 0 : index
    %swap3A_98 = vector.load %arg5[%swap3A_95, %swap3A_96, %swap3A_97] : memref<32x224x224xf32, #tpu.memory_space<vmem>>, vector<1x224x224xf32>
    %swap3A_99 = vector.shape_cast %swap3A_98 : vector<1x224x224xf32> to vector<224x224xf32>
    %swap3A_100 = vector.shape_cast %transpose3A_94 : vector<224x224xf32> to vector<1x224x224xf32>
    tpu.vector_store %arg5[%swap3A_95, %swap3A_96, %swap3A_97], %swap3A_100 {strides = array<i32>} : memref<32x224x224xf32, #tpu.memory_space<vmem>>, vector<1x224x224xf32>,
    %get3A_101 = arith.constant 0 : index
    %get3A_102 = arith.constant 8 : index
    %get3A_103 = arith.constant 0 : index
    %get3A_104 = arith.constant 0 : index
    %get3A_105 = vector.load %arg2[%get3A_101, %get3A_102, %get3A_103, %get3A_104] : memref<1x32x224x224xf32, #tpu.memory_space<vmem>>, vector<1x1x224x224xf32>
    %get3A_106 = vector.shape_cast %get3A_105 : vector<1x1x224x224xf32> to vector<224x224xf32>
    %transpose3A_107 = tpu.transpose %get3A_106, [1, 0] : vector<224x224xf32> -> vector<224x224xf32>
    %swap3A_108 = arith.constant 8 : index
    %swap3A_109 = arith.constant 0 : index
    %swap3A_110 = arith.constant 0 : index
    %swap3A_111 = vector.load %arg5[%swap3A_108, %swap3A_109, %swap3A_110] : memref<32x224x224xf32, #tpu.memory_space<vmem>>, vector<1x224x224xf32>
    %swap3A_112 = vector.shape_cast %swap3A_111 : vector<1x224x224xf32> to vector<224x224xf32>
    %swap3A_113 = vector.shape_cast %transpose3A_107 : vector<224x224xf32> to vector<1x224x224xf32>
    tpu.vector_store %arg5[%swap3A_108, %swap3A_109, %swap3A_110], %swap3A_113 {strides = array<i32>} : memref<32x224x224xf32, #tpu.memory_space<vmem>>, vector<1x224x224xf32>,
    %get3A_114 = arith.constant 0 : index
    %get3A_115 = arith.constant 9 : index
    %get3A_116 = arith.constant 0 : index
    %get3A_117 = arith.constant 0 : index
    %get3A_118 = vector.load %arg2[%get3A_114, %get3A_115, %get3A_116, %get3A_117] : memref<1x32x224x224xf32, #tpu.memory_space<vmem>>, vector<1x1x224x224xf32>
    %get3A_119 = vector.shape_cast %get3A_118 : vector<1x1x224x224xf32> to vector<224x224xf32>
    %transpose3A_120 = tpu.transpose %get3A_119, [1, 0] : vector<224x224xf32> -> vector<224x224xf32>
    %swap3A_121 = arith.constant 9 : index
    %swap3A_122 = arith.constant 0 : index
    %swap3A_123 = arith.constant 0 : index
    %swap3A_124 = vector.load %arg5[%swap3A_121, %swap3A_122, %swap3A_123] : memref<32x224x224xf32, #tpu.memory_space<vmem>>, vector<1x224x224xf32>
    %swap3A_125 = vector.shape_cast %swap3A_124 : vector<1x224x224xf32> to vector<224x224xf32>
    %swap3A_126 = vector.shape_cast %transpose3A_120 : vector<224x224xf32> to vector<1x224x224xf32>
    tpu.vector_store %arg5[%swap3A_121, %swap3A_122, %swap3A_123], %swap3A_126 {strides = array<i32>} : memref<32x224x224xf32, #tpu.memory_space<vmem>>, vector<1x224x224xf32>,
    %get3A_127 = arith.constant 0 : index
    %get3A_128 = arith.constant 10 : index
    %get3A_129 = arith.constant 0 : index
    %get3A_130 = arith.constant 0 : index
    %get3A_131 = vector.load %arg2[%get3A_127, %get3A_128, %get3A_129, %get3A_130] : memref<1x32x224x224xf32, #tpu.memory_space<vmem>>, vector<1x1x224x224xf32>
    %get3A_132 = vector.shape_cast %get3A_131 : vector<1x1x224x224xf32> to vector<224x224xf32>
    %transpose3A_133 = tpu.transpose %get3A_132, [1, 0] : vector<224x224xf32> -> vector<224x224xf32>
    %swap3A_134 = arith.constant 10 : index
    %swap3A_135 = arith.constant 0 : index
    %swap3A_136 = arith.constant 0 : index
    %swap3A_137 = vector.load %arg5[%swap3A_134, %swap3A_135, %swap3A_136] : memref<32x224x224xf32, #tpu.memory_space<vmem>>, vector<1x224x224xf32>
    %swap3A_138 = vector.shape_cast %swap3A_137 : vector<1x224x224xf32> to vector<224x224xf32>
    %swap3A_139 = vector.shape_cast %transpose3A_133 : vector<224x224xf32> to vector<1x224x224xf32>
    tpu.vector_store %arg5[%swap3A_134, %swap3A_135, %swap3A_136], %swap3A_139 {strides = array<i32>} : memref<32x224x224xf32, #tpu.memory_space<vmem>>, vector<1x224x224xf32>,
    %get3A_140 = arith.constant 0 : index
    %get3A_141 = arith.constant 11 : index
    %get3A_142 = arith.constant 0 : index
    %get3A_143 = arith.constant 0 : index
    %get3A_144 = vector.load %arg2[%get3A_140, %get3A_141, %get3A_142, %get3A_143] : memref<1x32x224x224xf32, #tpu.memory_space<vmem>>, vector<1x1x224x224xf32>
    %get3A_145 = vector.shape_cast %get3A_144 : vector<1x1x224x224xf32> to vector<224x224xf32>
    %transpose3A_146 = tpu.transpose %get3A_145, [1, 0] : vector<224x224xf32> -> vector<224x224xf32>
    %swap3A_147 = arith.constant 11 : index
    %swap3A_148 = arith.constant 0 : index
    %swap3A_149 = arith.constant 0 : index
    %swap3A_150 = vector.load %arg5[%swap3A_147, %swap3A_148, %swap3A_149] : memref<32x224x224xf32, #tpu.memory_space<vmem>>, vector<1x224x224xf32>
    %swap3A_151 = vector.shape_cast %swap3A_150 : vector<1x224x224xf32> to vector<224x224xf32>
    %swap3A_152 = vector.shape_cast %transpose3A_146 : vector<224x224xf32> to vector<1x224x224xf32>
    tpu.vector_store %arg5[%swap3A_147, %swap3A_148, %swap3A_149], %swap3A_152 {strides = array<i32>} : memref<32x224x224xf32, #tpu.memory_space<vmem>>, vector<1x224x224xf32>,
    %get3A_153 = arith.constant 0 : index
    %get3A_154 = arith.constant 12 : index
    %get3A_155 = arith.constant 0 : index
    %get3A_156 = arith.constant 0 : index
    %get3A_157 = vector.load %arg2[%get3A_153, %get3A_154, %get3A_155, %get3A_156] : memref<1x32x224x224xf32, #tpu.memory_space<vmem>>, vector<1x1x224x224xf32>
    %get3A_158 = vector.shape_cast %get3A_157 : vector<1x1x224x224xf32> to vector<224x224xf32>
    %transpose3A_159 = tpu.transpose %get3A_158, [1, 0] : vector<224x224xf32> -> vector<224x224xf32>
    %swap3A_160 = arith.constant 12 : index
    %swap3A_161 = arith.constant 0 : index
    %swap3A_162 = arith.constant 0 : index
    %swap3A_163 = vector.load %arg5[%swap3A_160, %swap3A_161, %swap3A_162] : memref<32x224x224xf32, #tpu.memory_space<vmem>>, vector<1x224x224xf32>
    %swap3A_164 = vector.shape_cast %swap3A_163 : vector<1x224x224xf32> to vector<224x224xf32>
    %swap3A_165 = vector.shape_cast %transpose3A_159 : vector<224x224xf32> to vector<1x224x224xf32>
    tpu.vector_store %arg5[%swap3A_160, %swap3A_161, %swap3A_162], %swap3A_165 {strides = array<i32>} : memref<32x224x224xf32, #tpu.memory_space<vmem>>, vector<1x224x224xf32>,
    %get3A_166 = arith.constant 0 : index
    %get3A_167 = arith.constant 13 : index
    %get3A_168 = arith.constant 0 : index
    %get3A_169 = arith.constant 0 : index
    %get3A_170 = vector.load %arg2[%get3A_166, %get3A_167, %get3A_168, %get3A_169] : memref<1x32x224x224xf32, #tpu.memory_space<vmem>>, vector<1x1x224x224xf32>
    %get3A_171 = vector.shape_cast %get3A_170 : vector<1x1x224x224xf32> to vector<224x224xf32>
    %transpose3A_172 = tpu.transpose %get3A_171, [1, 0] : vector<224x224xf32> -> vector<224x224xf32>
    %swap3A_173 = arith.constant 13 : index
    %swap3A_174 = arith.constant 0 : index
    %swap3A_175 = arith.constant 0 : index
    %swap3A_176 = vector.load %arg5[%swap3A_173, %swap3A_174, %swap3A_175] : memref<32x224x224xf32, #tpu.memory_space<vmem>>, vector<1x224x224xf32>
    %swap3A_177 = vector.shape_cast %swap3A_176 : vector<1x224x224xf32> to vector<224x224xf32>
    %swap3A_178 = vector.shape_cast %transpose3A_172 : vector<224x224xf32> to vector<1x224x224xf32>
    tpu.vector_store %arg5[%swap3A_173, %swap3A_174, %swap3A_175], %swap3A_178 {strides = array<i32>} : memref<32x224x224xf32, #tpu.memory_space<vmem>>, vector<1x224x224xf32>,
    %get3A_179 = arith.constant 0 : index
    %get3A_180 = arith.constant 14 : index
    %get3A_181 = arith.constant 0 : index
    %get3A_182 = arith.constant 0 : index
    %get3A_183 = vector.load %arg2[%get3A_179, %get3A_180, %get3A_181, %get3A_182] : memref<1x32x224x224xf32, #tpu.memory_space<vmem>>, vector<1x1x224x224xf32>
    %get3A_184 = vector.shape_cast %get3A_183 : vector<1x1x224x224xf32> to vector<224x224xf32>
    %transpose3A_185 = tpu.transpose %get3A_184, [1, 0] : vector<224x224xf32> -> vector<224x224xf32>
    %swap3A_186 = arith.constant 14 : index
    %swap3A_187 = arith.constant 0 : index
    %swap3A_188 = arith.constant 0 : index
    %swap3A_189 = vector.load %arg5[%swap3A_186, %swap3A_187, %swap3A_188] : memref<32x224x224xf32, #tpu.memory_space<vmem>>, vector<1x224x224xf32>
    %swap3A_190 = vector.shape_cast %swap3A_189 : vector<1x224x224xf32> to vector<224x224xf32>
    %swap3A_191 = vector.shape_cast %transpose3A_185 : vector<224x224xf32> to vector<1x224x224xf32>
    tpu.vector_store %arg5[%swap3A_186, %swap3A_187, %swap3A_188], %swap3A_191 {strides = array<i32>} : memref<32x224x224xf32, #tpu.memory_space<vmem>>, vector<1x224x224xf32>,
    %get3A_192 = arith.constant 0 : index
    %get3A_193 = arith.constant 15 : index
    %get3A_194 = arith.constant 0 : index
    %get3A_195 = arith.constant 0 : index
    %get3A_196 = vector.load %arg2[%get3A_192, %get3A_193, %get3A_194, %get3A_195] : memref<1x32x224x224xf32, #tpu.memory_space<vmem>>, vector<1x1x224x224xf32>
    %get3A_197 = vector.shape_cast %get3A_196 : vector<1x1x224x224xf32> to vector<224x224xf32>
    %transpose3A_198 = tpu.transpose %get3A_197, [1, 0] : vector<224x224xf32> -> vector<224x224xf32>
    %swap3A_199 = arith.constant 15 : index
    %swap3A_200 = arith.constant 0 : index
    %swap3A_201 = arith.constant 0 : index
    %swap3A_202 = vector.load %arg5[%swap3A_199, %swap3A_200, %swap3A_201] : memref<32x224x224xf32, #tpu.memory_space<vmem>>, vector<1x224x224xf32>
    %swap3A_203 = vector.shape_cast %swap3A_202 : vector<1x224x224xf32> to vector<224x224xf32>
    %swap3A_204 = vector.shape_cast %transpose3A_198 : vector<224x224xf32> to vector<1x224x224xf32>
    tpu.vector_store %arg5[%swap3A_199, %swap3A_200, %swap3A_201], %swap3A_204 {strides = array<i32>} : memref<32x224x224xf32, #tpu.memory_space<vmem>>, vector<1x224x224xf32>,
    %get3A_205 = arith.constant 0 : index
    %get3A_206 = arith.constant 16 : index
    %get3A_207 = arith.constant 0 : index
    %get3A_208 = arith.constant 0 : index
    %get3A_209 = vector.load %arg2[%get3A_205, %get3A_206, %get3A_207, %get3A_208] : memref<1x32x224x224xf32, #tpu.memory_space<vmem>>, vector<1x1x224x224xf32>
    %get3A_210 = vector.shape_cast %get3A_209 : vector<1x1x224x224xf32> to vector<224x224xf32>
    %transpose3A_211 = tpu.transpose %get3A_210, [1, 0] : vector<224x224xf32> -> vector<224x224xf32>
    %swap3A_212 = arith.constant 16 : index
    %swap3A_213 = arith.constant 0 : index
    %swap3A_214 = arith.constant 0 : index
    %swap3A_215 = vector.load %arg5[%swap3A_212, %swap3A_213, %swap3A_214] : memref<32x224x224xf32, #tpu.memory_space<vmem>>, vector<1x224x224xf32>
    %swap3A_216 = vector.shape_cast %swap3A_215 : vector<1x224x224xf32> to vector<224x224xf32>
    %swap3A_217 = vector.shape_cast %transpose3A_211 : vector<224x224xf32> to vector<1x224x224xf32>
    tpu.vector_store %arg5[%swap3A_212, %swap3A_213, %swap3A_214], %swap3A_217 {strides = array<i32>} : memref<32x224x224xf32, #tpu.memory_space<vmem>>, vector<1x224x224xf32>,
    %get3A_218 = arith.constant 0 : index
    %get3A_219 = arith.constant 17 : index
    %get3A_220 = arith.constant 0 : index
    %get3A_221 = arith.constant 0 : index
    %get3A_222 = vector.load %arg2[%get3A_218, %get3A_219, %get3A_220, %get3A_221] : memref<1x32x224x224xf32, #tpu.memory_space<vmem>>, vector<1x1x224x224xf32>
    %get3A_223 = vector.shape_cast %get3A_222 : vector<1x1x224x224xf32> to vector<224x224xf32>
    %transpose3A_224 = tpu.transpose %get3A_223, [1, 0] : vector<224x224xf32> -> vector<224x224xf32>
    %swap3A_225 = arith.constant 17 : index
    %swap3A_226 = arith.constant 0 : index
    %swap3A_227 = arith.constant 0 : index
    %swap3A_228 = vector.load %arg5[%swap3A_225, %swap3A_226, %swap3A_227] : memref<32x224x224xf32, #tpu.memory_space<vmem>>, vector<1x224x224xf32>
    %swap3A_229 = vector.shape_cast %swap3A_228 : vector<1x224x224xf32> to vector<224x224xf32>
    %swap3A_230 = vector.shape_cast %transpose3A_224 : vector<224x224xf32> to vector<1x224x224xf32>
    tpu.vector_store %arg5[%swap3A_225, %swap3A_226, %swap3A_227], %swap3A_230 {strides = array<i32>} : memref<32x224x224xf32, #tpu.memory_space<vmem>>, vector<1x224x224xf32>,
    %get3A_231 = arith.constant 0 : index
    %get3A_232 = arith.constant 18 : index
    %get3A_233 = arith.constant 0 : index
    %get3A_234 = arith.constant 0 : index
    %get3A_235 = vector.load %arg2[%get3A_231, %get3A_232, %get3A_233, %get3A_234] : memref<1x32x224x224xf32, #tpu.memory_space<vmem>>, vector<1x1x224x224xf32>
    %get3A_236 = vector.shape_cast %get3A_235 : vector<1x1x224x224xf32> to vector<224x224xf32>
    %transpose3A_237 = tpu.transpose %get3A_236, [1, 0] : vector<224x224xf32> -> vector<224x224xf32>
    %swap3A_238 = arith.constant 18 : index
    %swap3A_239 = arith.constant 0 : index
    %swap3A_240 = arith.constant 0 : index
    %swap3A_241 = vector.load %arg5[%swap3A_238, %swap3A_239, %swap3A_240] : memref<32x224x224xf32, #tpu.memory_space<vmem>>, vector<1x224x224xf32>
    %swap3A_242 = vector.shape_cast %swap3A_241 : vector<1x224x224xf32> to vector<224x224xf32>
    %swap3A_243 = vector.shape_cast %transpose3A_237 : vector<224x224xf32> to vector<1x224x224xf32>
    tpu.vector_store %arg5[%swap3A_238, %swap3A_239, %swap3A_240], %swap3A_243 {strides = array<i32>} : memref<32x224x224xf32, #tpu.memory_space<vmem>>, vector<1x224x224xf32>,
    %get3A_244 = arith.constant 0 : index
    %get3A_245 = arith.constant 19 : index
    %get3A_246 = arith.constant 0 : index
    %get3A_247 = arith.constant 0 : index
    %get3A_248 = vector.load %arg2[%get3A_244, %get3A_245, %get3A_246, %get3A_247] : memref<1x32x224x224xf32, #tpu.memory_space<vmem>>, vector<1x1x224x224xf32>
    %get3A_249 = vector.shape_cast %get3A_248 : vector<1x1x224x224xf32> to vector<224x224xf32>
    %transpose3A_250 = tpu.transpose %get3A_249, [1, 0] : vector<224x224xf32> -> vector<224x224xf32>
    %swap3A_251 = arith.constant 19 : index
    %swap3A_252 = arith.constant 0 : index
    %swap3A_253 = arith.constant 0 : index
    %swap3A_254 = vector.load %arg5[%swap3A_251, %swap3A_252, %swap3A_253] : memref<32x224x224xf32, #tpu.memory_space<vmem>>, vector<1x224x224xf32>
    %swap3A_255 = vector.shape_cast %swap3A_254 : vector<1x224x224xf32> to vector<224x224xf32>
    %swap3A_256 = vector.shape_cast %transpose3A_250 : vector<224x224xf32> to vector<1x224x224xf32>
    tpu.vector_store %arg5[%swap3A_251, %swap3A_252, %swap3A_253], %swap3A_256 {strides = array<i32>} : memref<32x224x224xf32, #tpu.memory_space<vmem>>, vector<1x224x224xf32>,
    %get3A_257 = arith.constant 0 : index
    %get3A_258 = arith.constant 20 : index
    %get3A_259 = arith.constant 0 : index
    %get3A_260 = arith.constant 0 : index
    %get3A_261 = vector.load %arg2[%get3A_257, %get3A_258, %get3A_259, %get3A_260] : memref<1x32x224x224xf32, #tpu.memory_space<vmem>>, vector<1x1x224x224xf32>
    %get3A_262 = vector.shape_cast %get3A_261 : vector<1x1x224x224xf32> to vector<224x224xf32>
    %transpose3A_263 = tpu.transpose %get3A_262, [1, 0] : vector<224x224xf32> -> vector<224x224xf32>
    %swap3A_264 = arith.constant 20 : index
    %swap3A_265 = arith.constant 0 : index
    %swap3A_266 = arith.constant 0 : index
    %swap3A_267 = vector.load %arg5[%swap3A_264, %swap3A_265, %swap3A_266] : memref<32x224x224xf32, #tpu.memory_space<vmem>>, vector<1x224x224xf32>
    %swap3A_268 = vector.shape_cast %swap3A_267 : vector<1x224x224xf32> to vector<224x224xf32>
    %swap3A_269 = vector.shape_cast %transpose3A_263 : vector<224x224xf32> to vector<1x224x224xf32>
    tpu.vector_store %arg5[%swap3A_264, %swap3A_265, %swap3A_266], %swap3A_269 {strides = array<i32>} : memref<32x224x224xf32, #tpu.memory_space<vmem>>, vector<1x224x224xf32>,
    %get3A_270 = arith.constant 0 : index
    %get3A_271 = arith.constant 21 : index
    %get3A_272 = arith.constant 0 : index
    %get3A_273 = arith.constant 0 : index
    %get3A_274 = vector.load %arg2[%get3A_270, %get3A_271, %get3A_272, %get3A_273] : memref<1x32x224x224xf32, #tpu.memory_space<vmem>>, vector<1x1x224x224xf32>
    %get3A_275 = vector.shape_cast %get3A_274 : vector<1x1x224x224xf32> to vector<224x224xf32>
    %transpose3A_276 = tpu.transpose %get3A_275, [1, 0] : vector<224x224xf32> -> vector<224x224xf32>
    %swap3A_277 = arith.constant 21 : index
    %swap3A_278 = arith.constant 0 : index
    %swap3A_279 = arith.constant 0 : index
    %swap3A_280 = vector.load %arg5[%swap3A_277, %swap3A_278, %swap3A_279] : memref<32x224x224xf32, #tpu.memory_space<vmem>>, vector<1x224x224xf32>
    %swap3A_281 = vector.shape_cast %swap3A_280 : vector<1x224x224xf32> to vector<224x224xf32>
    %swap3A_282 = vector.shape_cast %transpose3A_276 : vector<224x224xf32> to vector<1x224x224xf32>
    tpu.vector_store %arg5[%swap3A_277, %swap3A_278, %swap3A_279], %swap3A_282 {strides = array<i32>} : memref<32x224x224xf32, #tpu.memory_space<vmem>>, vector<1x224x224xf32>,
    %get3A_283 = arith.constant 0 : index
    %get3A_284 = arith.constant 22 : index
    %get3A_285 = arith.constant 0 : index
    %get3A_286 = arith.constant 0 : index
    %get3A_287 = vector.load %arg2[%get3A_283, %get3A_284, %get3A_285, %get3A_286] : memref<1x32x224x224xf32, #tpu.memory_space<vmem>>, vector<1x1x224x224xf32>
    %get3A_288 = vector.shape_cast %get3A_287 : vector<1x1x224x224xf32> to vector<224x224xf32>
    %transpose3A_289 = tpu.transpose %get3A_288, [1, 0] : vector<224x224xf32> -> vector<224x224xf32>
    %swap3A_290 = arith.constant 22 : index
    %swap3A_291 = arith.constant 0 : index
    %swap3A_292 = arith.constant 0 : index
    %swap3A_293 = vector.load %arg5[%swap3A_290, %swap3A_291, %swap3A_292] : memref<32x224x224xf32, #tpu.memory_space<vmem>>, vector<1x224x224xf32>
    %swap3A_294 = vector.shape_cast %swap3A_293 : vector<1x224x224xf32> to vector<224x224xf32>
    %swap3A_295 = vector.shape_cast %transpose3A_289 : vector<224x224xf32> to vector<1x224x224xf32>
    tpu.vector_store %arg5[%swap3A_290, %swap3A_291, %swap3A_292], %swap3A_295 {strides = array<i32>} : memref<32x224x224xf32, #tpu.memory_space<vmem>>, vector<1x224x224xf32>,
    %get3A_296 = arith.constant 0 : index
    %get3A_297 = arith.constant 23 : index
    %get3A_298 = arith.constant 0 : index
    %get3A_299 = arith.constant 0 : index
    %get3A_300 = vector.load %arg2[%get3A_296, %get3A_297, %get3A_298, %get3A_299] : memref<1x32x224x224xf32, #tpu.memory_space<vmem>>, vector<1x1x224x224xf32>
    %get3A_301 = vector.shape_cast %get3A_300 : vector<1x1x224x224xf32> to vector<224x224xf32>
    %transpose3A_302 = tpu.transpose %get3A_301, [1, 0] : vector<224x224xf32> -> vector<224x224xf32>
    %swap3A_303 = arith.constant 23 : index
    %swap3A_304 = arith.constant 0 : index
    %swap3A_305 = arith.constant 0 : index
    %swap3A_306 = vector.load %arg5[%swap3A_303, %swap3A_304, %swap3A_305] : memref<32x224x224xf32, #tpu.memory_space<vmem>>, vector<1x224x224xf32>
    %swap3A_307 = vector.shape_cast %swap3A_306 : vector<1x224x224xf32> to vector<224x224xf32>
    %swap3A_308 = vector.shape_cast %transpose3A_302 : vector<224x224xf32> to vector<1x224x224xf32>
    tpu.vector_store %arg5[%swap3A_303, %swap3A_304, %swap3A_305], %swap3A_308 {strides = array<i32>} : memref<32x224x224xf32, #tpu.memory_space<vmem>>, vector<1x224x224xf32>,
    %get3A_309 = arith.constant 0 : index
    %get3A_310 = arith.constant 24 : index
    %get3A_311 = arith.constant 0 : index
    %get3A_312 = arith.constant 0 : index
    %get3A_313 = vector.load %arg2[%get3A_309, %get3A_310, %get3A_311, %get3A_312] : memref<1x32x224x224xf32, #tpu.memory_space<vmem>>, vector<1x1x224x224xf32>
    %get3A_314 = vector.shape_cast %get3A_313 : vector<1x1x224x224xf32> to vector<224x224xf32>
    %transpose3A_315 = tpu.transpose %get3A_314, [1, 0] : vector<224x224xf32> -> vector<224x224xf32>
    %swap3A_316 = arith.constant 24 : index
    %swap3A_317 = arith.constant 0 : index
    %swap3A_318 = arith.constant 0 : index
    %swap3A_319 = vector.load %arg5[%swap3A_316, %swap3A_317, %swap3A_318] : memref<32x224x224xf32, #tpu.memory_space<vmem>>, vector<1x224x224xf32>
    %swap3A_320 = vector.shape_cast %swap3A_319 : vector<1x224x224xf32> to vector<224x224xf32>
    %swap3A_321 = vector.shape_cast %transpose3A_315 : vector<224x224xf32> to vector<1x224x224xf32>
    tpu.vector_store %arg5[%swap3A_316, %swap3A_317, %swap3A_318], %swap3A_321 {strides = array<i32>} : memref<32x224x224xf32, #tpu.memory_space<vmem>>, vector<1x224x224xf32>,
    %get3A_322 = arith.constant 0 : index
    %get3A_323 = arith.constant 25 : index
    %get3A_324 = arith.constant 0 : index
    %get3A_325 = arith.constant 0 : index
    %get3A_326 = vector.load %arg2[%get3A_322, %get3A_323, %get3A_324, %get3A_325] : memref<1x32x224x224xf32, #tpu.memory_space<vmem>>, vector<1x1x224x224xf32>
    %get3A_327 = vector.shape_cast %get3A_326 : vector<1x1x224x224xf32> to vector<224x224xf32>
    %transpose3A_328 = tpu.transpose %get3A_327, [1, 0] : vector<224x224xf32> -> vector<224x224xf32>
    %swap3A_329 = arith.constant 25 : index
    %swap3A_330 = arith.constant 0 : index
    %swap3A_331 = arith.constant 0 : index
    %swap3A_332 = vector.load %arg5[%swap3A_329, %swap3A_330, %swap3A_331] : memref<32x224x224xf32, #tpu.memory_space<vmem>>, vector<1x224x224xf32>
    %swap3A_333 = vector.shape_cast %swap3A_332 : vector<1x224x224xf32> to vector<224x224xf32>
    %swap3A_334 = vector.shape_cast %transpose3A_328 : vector<224x224xf32> to vector<1x224x224xf32>
    tpu.vector_store %arg5[%swap3A_329, %swap3A_330, %swap3A_331], %swap3A_334 {strides = array<i32>} : memref<32x224x224xf32, #tpu.memory_space<vmem>>, vector<1x224x224xf32>,
    %get3A_335 = arith.constant 0 : index
    %get3A_336 = arith.constant 26 : index
    %get3A_337 = arith.constant 0 : index
    %get3A_338 = arith.constant 0 : index
    %get3A_339 = vector.load %arg2[%get3A_335, %get3A_336, %get3A_337, %get3A_338] : memref<1x32x224x224xf32, #tpu.memory_space<vmem>>, vector<1x1x224x224xf32>
    %get3A_340 = vector.shape_cast %get3A_339 : vector<1x1x224x224xf32> to vector<224x224xf32>
    %transpose3A_341 = tpu.transpose %get3A_340, [1, 0] : vector<224x224xf32> -> vector<224x224xf32>
    %swap3A_342 = arith.constant 26 : index
    %swap3A_343 = arith.constant 0 : index
    %swap3A_344 = arith.constant 0 : index
    %swap3A_345 = vector.load %arg5[%swap3A_342, %swap3A_343, %swap3A_344] : memref<32x224x224xf32, #tpu.memory_space<vmem>>, vector<1x224x224xf32>
    %swap3A_346 = vector.shape_cast %swap3A_345 : vector<1x224x224xf32> to vector<224x224xf32>
    %swap3A_347 = vector.shape_cast %transpose3A_341 : vector<224x224xf32> to vector<1x224x224xf32>
    tpu.vector_store %arg5[%swap3A_342, %swap3A_343, %swap3A_344], %swap3A_347 {strides = array<i32>} : memref<32x224x224xf32, #tpu.memory_space<vmem>>, vector<1x224x224xf32>,
    %get3A_348 = arith.constant 0 : index
    %get3A_349 = arith.constant 27 : index
    %get3A_350 = arith.constant 0 : index
    %get3A_351 = arith.constant 0 : index
    %get3A_352 = vector.load %arg2[%get3A_348, %get3A_349, %get3A_350, %get3A_351] : memref<1x32x224x224xf32, #tpu.memory_space<vmem>>, vector<1x1x224x224xf32>
    %get3A_353 = vector.shape_cast %get3A_352 : vector<1x1x224x224xf32> to vector<224x224xf32>
    %transpose3A_354 = tpu.transpose %get3A_353, [1, 0] : vector<224x224xf32> -> vector<224x224xf32>
    %swap3A_355 = arith.constant 27 : index
    %swap3A_356 = arith.constant 0 : index
    %swap3A_357 = arith.constant 0 : index
    %swap3A_358 = vector.load %arg5[%swap3A_355, %swap3A_356, %swap3A_357] : memref<32x224x224xf32, #tpu.memory_space<vmem>>, vector<1x224x224xf32>
    %swap3A_359 = vector.shape_cast %swap3A_358 : vector<1x224x224xf32> to vector<224x224xf32>
    %swap3A_360 = vector.shape_cast %transpose3A_354 : vector<224x224xf32> to vector<1x224x224xf32>
    tpu.vector_store %arg5[%swap3A_355, %swap3A_356, %swap3A_357], %swap3A_360 {strides = array<i32>} : memref<32x224x224xf32, #tpu.memory_space<vmem>>, vector<1x224x224xf32>,
    %get3A_361 = arith.constant 0 : index
    %get3A_362 = arith.constant 28 : index
    %get3A_363 = arith.constant 0 : index
    %get3A_364 = arith.constant 0 : index
    %get3A_365 = vector.load %arg2[%get3A_361, %get3A_362, %get3A_363, %get3A_364] : memref<1x32x224x224xf32, #tpu.memory_space<vmem>>, vector<1x1x224x224xf32>
    %get3A_366 = vector.shape_cast %get3A_365 : vector<1x1x224x224xf32> to vector<224x224xf32>
    %transpose3A_367 = tpu.transpose %get3A_366, [1, 0] : vector<224x224xf32> -> vector<224x224xf32>
    %swap3A_368 = arith.constant 28 : index
    %swap3A_369 = arith.constant 0 : index
    %swap3A_370 = arith.constant 0 : index
    %swap3A_371 = vector.load %arg5[%swap3A_368, %swap3A_369, %swap3A_370] : memref<32x224x224xf32, #tpu.memory_space<vmem>>, vector<1x224x224xf32>
    %swap3A_372 = vector.shape_cast %swap3A_371 : vector<1x224x224xf32> to vector<224x224xf32>
    %swap3A_373 = vector.shape_cast %transpose3A_367 : vector<224x224xf32> to vector<1x224x224xf32>
    tpu.vector_store %arg5[%swap3A_368, %swap3A_369, %swap3A_370], %swap3A_373 {strides = array<i32>} : memref<32x224x224xf32, #tpu.memory_space<vmem>>, vector<1x224x224xf32>,
    %get3A_374 = arith.constant 0 : index
    %get3A_375 = arith.constant 29 : index
    %get3A_376 = arith.constant 0 : index
    %get3A_377 = arith.constant 0 : index
    %get3A_378 = vector.load %arg2[%get3A_374, %get3A_375, %get3A_376, %get3A_377] : memref<1x32x224x224xf32, #tpu.memory_space<vmem>>, vector<1x1x224x224xf32>
    %get3A_379 = vector.shape_cast %get3A_378 : vector<1x1x224x224xf32> to vector<224x224xf32>
    %transpose3A_380 = tpu.transpose %get3A_379, [1, 0] : vector<224x224xf32> -> vector<224x224xf32>
    %swap3A_381 = arith.constant 29 : index
    %swap3A_382 = arith.constant 0 : index
    %swap3A_383 = arith.constant 0 : index
    %swap3A_384 = vector.load %arg5[%swap3A_381, %swap3A_382, %swap3A_383] : memref<32x224x224xf32, #tpu.memory_space<vmem>>, vector<1x224x224xf32>
    %swap3A_385 = vector.shape_cast %swap3A_384 : vector<1x224x224xf32> to vector<224x224xf32>
    %swap3A_386 = vector.shape_cast %transpose3A_380 : vector<224x224xf32> to vector<1x224x224xf32>
    tpu.vector_store %arg5[%swap3A_381, %swap3A_382, %swap3A_383], %swap3A_386 {strides = array<i32>} : memref<32x224x224xf32, #tpu.memory_space<vmem>>, vector<1x224x224xf32>,
    %get3A_387 = arith.constant 0 : index
    %get3A_388 = arith.constant 30 : index
    %get3A_389 = arith.constant 0 : index
    %get3A_390 = arith.constant 0 : index
    %get3A_391 = vector.load %arg2[%get3A_387, %get3A_388, %get3A_389, %get3A_390] : memref<1x32x224x224xf32, #tpu.memory_space<vmem>>, vector<1x1x224x224xf32>
    %get3A_392 = vector.shape_cast %get3A_391 : vector<1x1x224x224xf32> to vector<224x224xf32>
    %transpose3A_393 = tpu.transpose %get3A_392, [1, 0] : vector<224x224xf32> -> vector<224x224xf32>
    %swap3A_394 = arith.constant 30 : index
    %swap3A_395 = arith.constant 0 : index
    %swap3A_396 = arith.constant 0 : index
    %swap3A_397 = vector.load %arg5[%swap3A_394, %swap3A_395, %swap3A_396] : memref<32x224x224xf32, #tpu.memory_space<vmem>>, vector<1x224x224xf32>
    %swap3A_398 = vector.shape_cast %swap3A_397 : vector<1x224x224xf32> to vector<224x224xf32>
    %swap3A_399 = vector.shape_cast %transpose3A_393 : vector<224x224xf32> to vector<1x224x224xf32>
    tpu.vector_store %arg5[%swap3A_394, %swap3A_395, %swap3A_396], %swap3A_399 {strides = array<i32>} : memref<32x224x224xf32, #tpu.memory_space<vmem>>, vector<1x224x224xf32>,
    %get3A_400 = arith.constant 0 : index
    %get3A_401 = arith.constant 31 : index
    %get3A_402 = arith.constant 0 : index
    %get3A_403 = arith.constant 0 : index
    %get3A_404 = vector.load %arg2[%get3A_400, %get3A_401, %get3A_402, %get3A_403] : memref<1x32x224x224xf32, #tpu.memory_space<vmem>>, vector<1x1x224x224xf32>
    %get3A_405 = vector.shape_cast %get3A_404 : vector<1x1x224x224xf32> to vector<224x224xf32>
    %transpose3A_406 = tpu.transpose %get3A_405, [1, 0] : vector<224x224xf32> -> vector<224x224xf32>
    %swap3A_407 = arith.constant 31 : index
    %swap3A_408 = arith.constant 0 : index
    %swap3A_409 = arith.constant 0 : index
    %swap3A_410 = vector.load %arg5[%swap3A_407, %swap3A_408, %swap3A_409] : memref<32x224x224xf32, #tpu.memory_space<vmem>>, vector<1x224x224xf32>
    %swap3A_411 = vector.shape_cast %swap3A_410 : vector<1x224x224xf32> to vector<224x224xf32>
    %swap3A_412 = vector.shape_cast %transpose3A_406 : vector<224x224xf32> to vector<1x224x224xf32>
    tpu.vector_store %arg5[%swap3A_407, %swap3A_408, %swap3A_409], %swap3A_412 {strides = array<i32>} : memref<32x224x224xf32, #tpu.memory_space<vmem>>, vector<1x224x224xf32>,
    %get3A_413 = arith.constant 0 : index
    %get3A_414 = arith.constant 0 : index
    %get3A_415 = arith.constant 0 : index
    %get3A_416 = vector.load %arg5[%get3A_413, %get3A_414, %get3A_415] : memref<32x224x224xf32, #tpu.memory_space<vmem>>, vector<32x1x224xf32>
    %get3A_417 = vector.shape_cast %get3A_416 : vector<32x1x224xf32> to vector<32x224xf32>
    %swap3A_418 = arith.constant 0 : index
    %swap3A_419 = arith.constant 0 : index
    %swap3A_420 = arith.constant 0 : index
    %swap3A_421 = arith.constant 0 : index
    %swap3A_422 = vector.load %arg3[%swap3A_418, %swap3A_419, %swap3A_420, %swap3A_421] : memref<1x64x32x224xf32, #tpu.memory_space<vmem>>, vector<1x1x32x224xf32>
    %swap3A_423 = vector.shape_cast %swap3A_422 : vector<1x1x32x224xf32> to vector<32x224xf32>
    %swap3A_424 = vector.shape_cast %get3A_417 : vector<32x224xf32> to vector<1x1x32x224xf32>
    tpu.vector_store %arg3[%swap3A_418, %swap3A_419, %swap3A_420, %swap3A_421], %swap3A_424 {strides = array<i32>} : memref<1x64x32x224xf32, #tpu.memory_space<vmem>>, vector<1x1x32x224xf32>,
    %get3A_425 = arith.constant 0 : index
    %get3A_426 = arith.constant 3 : index
    %get3A_427 = arith.constant 0 : index
    %get3A_428 = vector.load %arg5[%get3A_425, %get3A_426, %get3A_427] : memref<32x224x224xf32, #tpu.memory_space<vmem>>, vector<32x1x224xf32>
    %get3A_429 = vector.shape_cast %get3A_428 : vector<32x1x224xf32> to vector<32x224xf32>
    %swap3A_430 = arith.constant 0 : index
    %swap3A_431 = arith.constant 1 : index
    %swap3A_432 = arith.constant 0 : index
    %swap3A_433 = arith.constant 0 : index
    %swap3A_434 = vector.load %arg3[%swap3A_430, %swap3A_431, %swap3A_432, %swap3A_433] : memref<1x64x32x224xf32, #tpu.memory_space<vmem>>, vector<1x1x32x224xf32>
    %swap3A_435 = vector.shape_cast %swap3A_434 : vector<1x1x32x224xf32> to vector<32x224xf32>
    %swap3A_436 = vector.shape_cast %get3A_429 : vector<32x224xf32> to vector<1x1x32x224xf32>
    tpu.vector_store %arg3[%swap3A_430, %swap3A_431, %swap3A_432, %swap3A_433], %swap3A_436 {strides = array<i32>} : memref<1x64x32x224xf32, #tpu.memory_space<vmem>>, vector<1x1x32x224xf32>,
    %get3A_437 = arith.constant 0 : index
    %get3A_438 = arith.constant 7 : index
    %get3A_439 = arith.constant 0 : index
    %get3A_440 = vector.load %arg5[%get3A_437, %get3A_438, %get3A_439] : memref<32x224x224xf32, #tpu.memory_space<vmem>>, vector<32x1x224xf32>
    %get3A_441 = vector.shape_cast %get3A_440 : vector<32x1x224xf32> to vector<32x224xf32>
    %swap3A_442 = arith.constant 0 : index
    %swap3A_443 = arith.constant 2 : index
    %swap3A_444 = arith.constant 0 : index
    %swap3A_445 = arith.constant 0 : index
    %swap3A_446 = vector.load %arg3[%swap3A_442, %swap3A_443, %swap3A_444, %swap3A_445] : memref<1x64x32x224xf32, #tpu.memory_space<vmem>>, vector<1x1x32x224xf32>
    %swap3A_447 = vector.shape_cast %swap3A_446 : vector<1x1x32x224xf32> to vector<32x224xf32>
    %swap3A_448 = vector.shape_cast %get3A_441 : vector<32x224xf32> to vector<1x1x32x224xf32>
    tpu.vector_store %arg3[%swap3A_442, %swap3A_443, %swap3A_444, %swap3A_445], %swap3A_448 {strides = array<i32>} : memref<1x64x32x224xf32, #tpu.memory_space<vmem>>, vector<1x1x32x224xf32>,
    %get3A_449 = arith.constant 0 : index
    %get3A_450 = arith.constant 10 : index
    %get3A_451 = arith.constant 0 : index
    %get3A_452 = vector.load %arg5[%get3A_449, %get3A_450, %get3A_451] : memref<32x224x224xf32, #tpu.memory_space<vmem>>, vector<32x1x224xf32>
    %get3A_453 = vector.shape_cast %get3A_452 : vector<32x1x224xf32> to vector<32x224xf32>
    %swap3A_454 = arith.constant 0 : index
    %swap3A_455 = arith.constant 3 : index
    %swap3A_456 = arith.constant 0 : index
    %swap3A_457 = arith.constant 0 : index
    %swap3A_458 = vector.load %arg3[%swap3A_454, %swap3A_455, %swap3A_456, %swap3A_457] : memref<1x64x32x224xf32, #tpu.memory_space<vmem>>, vector<1x1x32x224xf32>
    %swap3A_459 = vector.shape_cast %swap3A_458 : vector<1x1x32x224xf32> to vector<32x224xf32>
    %swap3A_460 = vector.shape_cast %get3A_453 : vector<32x224xf32> to vector<1x1x32x224xf32>
    tpu.vector_store %arg3[%swap3A_454, %swap3A_455, %swap3A_456, %swap3A_457], %swap3A_460 {strides = array<i32>} : memref<1x64x32x224xf32, #tpu.memory_space<vmem>>, vector<1x1x32x224xf32>,
    %get3A_461 = arith.constant 0 : index
    %get3A_462 = arith.constant 14 : index
    %get3A_463 = arith.constant 0 : index
    %get3A_464 = vector.load %arg5[%get3A_461, %get3A_462, %get3A_463] : memref<32x224x224xf32, #tpu.memory_space<vmem>>, vector<32x1x224xf32>
    %get3A_465 = vector.shape_cast %get3A_464 : vector<32x1x224xf32> to vector<32x224xf32>
    %swap3A_466 = arith.constant 0 : index
    %swap3A_467 = arith.constant 4 : index
    %swap3A_468 = arith.constant 0 : index
    %swap3A_469 = arith.constant 0 : index
    %swap3A_470 = vector.load %arg3[%swap3A_466, %swap3A_467, %swap3A_468, %swap3A_469] : memref<1x64x32x224xf32, #tpu.memory_space<vmem>>, vector<1x1x32x224xf32>
    %swap3A_471 = vector.shape_cast %swap3A_470 : vector<1x1x32x224xf32> to vector<32x224xf32>
    %swap3A_472 = vector.shape_cast %get3A_465 : vector<32x224xf32> to vector<1x1x32x224xf32>
    tpu.vector_store %arg3[%swap3A_466, %swap3A_467, %swap3A_468, %swap3A_469], %swap3A_472 {strides = array<i32>} : memref<1x64x32x224xf32, #tpu.memory_space<vmem>>, vector<1x1x32x224xf32>,
    %get3A_473 = arith.constant 0 : index
    %get3A_474 = arith.constant 17 : index
    %get3A_475 = arith.constant 0 : index
    %get3A_476 = vector.load %arg5[%get3A_473, %get3A_474, %get3A_475] : memref<32x224x224xf32, #tpu.memory_space<vmem>>, vector<32x1x224xf32>
    %get3A_477 = vector.shape_cast %get3A_476 : vector<32x1x224xf32> to vector<32x224xf32>
    %swap3A_478 = arith.constant 0 : index
    %swap3A_479 = arith.constant 5 : index
    %swap3A_480 = arith.constant 0 : index
    %swap3A_481 = arith.constant 0 : index
    %swap3A_482 = vector.load %arg3[%swap3A_478, %swap3A_479, %swap3A_480, %swap3A_481] : memref<1x64x32x224xf32, #tpu.memory_space<vmem>>, vector<1x1x32x224xf32>
    %swap3A_483 = vector.shape_cast %swap3A_482 : vector<1x1x32x224xf32> to vector<32x224xf32>
    %swap3A_484 = vector.shape_cast %get3A_477 : vector<32x224xf32> to vector<1x1x32x224xf32>
    tpu.vector_store %arg3[%swap3A_478, %swap3A_479, %swap3A_480, %swap3A_481], %swap3A_484 {strides = array<i32>} : memref<1x64x32x224xf32, #tpu.memory_space<vmem>>, vector<1x1x32x224xf32>,
    %get3A_485 = arith.constant 0 : index
    %get3A_486 = arith.constant 21 : index
    %get3A_487 = arith.constant 0 : index
    %get3A_488 = vector.load %arg5[%get3A_485, %get3A_486, %get3A_487] : memref<32x224x224xf32, #tpu.memory_space<vmem>>, vector<32x1x224xf32>
    %get3A_489 = vector.shape_cast %get3A_488 : vector<32x1x224xf32> to vector<32x224xf32>
    %swap3A_490 = arith.constant 0 : index
    %swap3A_491 = arith.constant 6 : index
    %swap3A_492 = arith.constant 0 : index
    %swap3A_493 = arith.constant 0 : index
    %swap3A_494 = vector.load %arg3[%swap3A_490, %swap3A_491, %swap3A_492, %swap3A_493] : memref<1x64x32x224xf32, #tpu.memory_space<vmem>>, vector<1x1x32x224xf32>
    %swap3A_495 = vector.shape_cast %swap3A_494 : vector<1x1x32x224xf32> to vector<32x224xf32>
    %swap3A_496 = vector.shape_cast %get3A_489 : vector<32x224xf32> to vector<1x1x32x224xf32>
    tpu.vector_store %arg3[%swap3A_490, %swap3A_491, %swap3A_492, %swap3A_493], %swap3A_496 {strides = array<i32>} : memref<1x64x32x224xf32, #tpu.memory_space<vmem>>, vector<1x1x32x224xf32>,
    %get3A_497 = arith.constant 0 : index
    %get3A_498 = arith.constant 24 : index
    %get3A_499 = arith.constant 0 : index
    %get3A_500 = vector.load %arg5[%get3A_497, %get3A_498, %get3A_499] : memref<32x224x224xf32, #tpu.memory_space<vmem>>, vector<32x1x224xf32>
    %get3A_501 = vector.shape_cast %get3A_500 : vector<32x1x224xf32> to vector<32x224xf32>
    %swap3A_502 = arith.constant 0 : index
    %swap3A_503 = arith.constant 7 : index
    %swap3A_504 = arith.constant 0 : index
    %swap3A_505 = arith.constant 0 : index
    %swap3A_506 = vector.load %arg3[%swap3A_502, %swap3A_503, %swap3A_504, %swap3A_505] : memref<1x64x32x224xf32, #tpu.memory_space<vmem>>, vector<1x1x32x224xf32>
    %swap3A_507 = vector.shape_cast %swap3A_506 : vector<1x1x32x224xf32> to vector<32x224xf32>
    %swap3A_508 = vector.shape_cast %get3A_501 : vector<32x224xf32> to vector<1x1x32x224xf32>
    tpu.vector_store %arg3[%swap3A_502, %swap3A_503, %swap3A_504, %swap3A_505], %swap3A_508 {strides = array<i32>} : memref<1x64x32x224xf32, #tpu.memory_space<vmem>>, vector<1x1x32x224xf32>,
    %get3A_509 = arith.constant 0 : index
    %get3A_510 = arith.constant 28 : index
    %get3A_511 = arith.constant 0 : index
    %get3A_512 = vector.load %arg5[%get3A_509, %get3A_510, %get3A_511] : memref<32x224x224xf32, #tpu.memory_space<vmem>>, vector<32x1x224xf32>
    %get3A_513 = vector.shape_cast %get3A_512 : vector<32x1x224xf32> to vector<32x224xf32>
    %swap3A_514 = arith.constant 0 : index
    %swap3A_515 = arith.constant 8 : index
    %swap3A_516 = arith.constant 0 : index
    %swap3A_517 = arith.constant 0 : index
    %swap3A_518 = vector.load %arg3[%swap3A_514, %swap3A_515, %swap3A_516, %swap3A_517] : memref<1x64x32x224xf32, #tpu.memory_space<vmem>>, vector<1x1x32x224xf32>
    %swap3A_519 = vector.shape_cast %swap3A_518 : vector<1x1x32x224xf32> to vector<32x224xf32>
    %swap3A_520 = vector.shape_cast %get3A_513 : vector<32x224xf32> to vector<1x1x32x224xf32>
    tpu.vector_store %arg3[%swap3A_514, %swap3A_515, %swap3A_516, %swap3A_517], %swap3A_520 {strides = array<i32>} : memref<1x64x32x224xf32, #tpu.memory_space<vmem>>, vector<1x1x32x224xf32>,
    %get3A_521 = arith.constant 0 : index
    %get3A_522 = arith.constant 31 : index
    %get3A_523 = arith.constant 0 : index
    %get3A_524 = vector.load %arg5[%get3A_521, %get3A_522, %get3A_523] : memref<32x224x224xf32, #tpu.memory_space<vmem>>, vector<32x1x224xf32>
    %get3A_525 = vector.shape_cast %get3A_524 : vector<32x1x224xf32> to vector<32x224xf32>
    %swap3A_526 = arith.constant 0 : index
    %swap3A_527 = arith.constant 9 : index
    %swap3A_528 = arith.constant 0 : index
    %swap3A_529 = arith.constant 0 : index
    %swap3A_530 = vector.load %arg3[%swap3A_526, %swap3A_527, %swap3A_528, %swap3A_529] : memref<1x64x32x224xf32, #tpu.memory_space<vmem>>, vector<1x1x32x224xf32>
    %swap3A_531 = vector.shape_cast %swap3A_530 : vector<1x1x32x224xf32> to vector<32x224xf32>
    %swap3A_532 = vector.shape_cast %get3A_525 : vector<32x224xf32> to vector<1x1x32x224xf32>
    tpu.vector_store %arg3[%swap3A_526, %swap3A_527, %swap3A_528, %swap3A_529], %swap3A_532 {strides = array<i32>} : memref<1x64x32x224xf32, #tpu.memory_space<vmem>>, vector<1x1x32x224xf32>,
    %get3A_533 = arith.constant 0 : index
    %get3A_534 = arith.constant 35 : index
    %get3A_535 = arith.constant 0 : index
    %get3A_536 = vector.load %arg5[%get3A_533, %get3A_534, %get3A_535] : memref<32x224x224xf32, #tpu.memory_space<vmem>>, vector<32x1x224xf32>
    %get3A_537 = vector.shape_cast %get3A_536 : vector<32x1x224xf32> to vector<32x224xf32>
    %swap3A_538 = arith.constant 0 : index
    %swap3A_539 = arith.constant 10 : index
    %swap3A_540 = arith.constant 0 : index
    %swap3A_541 = arith.constant 0 : index
    %swap3A_542 = vector.load %arg3[%swap3A_538, %swap3A_539, %swap3A_540, %swap3A_541] : memref<1x64x32x224xf32, #tpu.memory_space<vmem>>, vector<1x1x32x224xf32>
    %swap3A_543 = vector.shape_cast %swap3A_542 : vector<1x1x32x224xf32> to vector<32x224xf32>
    %swap3A_544 = vector.shape_cast %get3A_537 : vector<32x224xf32> to vector<1x1x32x224xf32>
    tpu.vector_store %arg3[%swap3A_538, %swap3A_539, %swap3A_540, %swap3A_541], %swap3A_544 {strides = array<i32>} : memref<1x64x32x224xf32, #tpu.memory_space<vmem>>, vector<1x1x32x224xf32>,
    %get3A_545 = arith.constant 0 : index
    %get3A_546 = arith.constant 38 : index
    %get3A_547 = arith.constant 0 : index
    %get3A_548 = vector.load %arg5[%get3A_545, %get3A_546, %get3A_547] : memref<32x224x224xf32, #tpu.memory_space<vmem>>, vector<32x1x224xf32>
    %get3A_549 = vector.shape_cast %get3A_548 : vector<32x1x224xf32> to vector<32x224xf32>
    %swap3A_550 = arith.constant 0 : index
    %swap3A_551 = arith.constant 11 : index
    %swap3A_552 = arith.constant 0 : index
    %swap3A_553 = arith.constant 0 : index
    %swap3A_554 = vector.load %arg3[%swap3A_550, %swap3A_551, %swap3A_552, %swap3A_553] : memref<1x64x32x224xf32, #tpu.memory_space<vmem>>, vector<1x1x32x224xf32>
    %swap3A_555 = vector.shape_cast %swap3A_554 : vector<1x1x32x224xf32> to vector<32x224xf32>
    %swap3A_556 = vector.shape_cast %get3A_549 : vector<32x224xf32> to vector<1x1x32x224xf32>
    tpu.vector_store %arg3[%swap3A_550, %swap3A_551, %swap3A_552, %swap3A_553], %swap3A_556 {strides = array<i32>} : memref<1x64x32x224xf32, #tpu.memory_space<vmem>>, vector<1x1x32x224xf32>,
    %get3A_557 = arith.constant 0 : index
    %get3A_558 = arith.constant 42 : index
    %get3A_559 = arith.constant 0 : index
    %get3A_560 = vector.load %arg5[%get3A_557, %get3A_558, %get3A_559] : memref<32x224x224xf32, #tpu.memory_space<vmem>>, vector<32x1x224xf32>
    %get3A_561 = vector.shape_cast %get3A_560 : vector<32x1x224xf32> to vector<32x224xf32>
    %swap3A_562 = arith.constant 0 : index
    %swap3A_563 = arith.constant 12 : index
    %swap3A_564 = arith.constant 0 : index
    %swap3A_565 = arith.constant 0 : index
    %swap3A_566 = vector.load %arg3[%swap3A_562, %swap3A_563, %swap3A_564, %swap3A_565] : memref<1x64x32x224xf32, #tpu.memory_space<vmem>>, vector<1x1x32x224xf32>
    %swap3A_567 = vector.shape_cast %swap3A_566 : vector<1x1x32x224xf32> to vector<32x224xf32>
    %swap3A_568 = vector.shape_cast %get3A_561 : vector<32x224xf32> to vector<1x1x32x224xf32>
    tpu.vector_store %arg3[%swap3A_562, %swap3A_563, %swap3A_564, %swap3A_565], %swap3A_568 {strides = array<i32>} : memref<1x64x32x224xf32, #tpu.memory_space<vmem>>, vector<1x1x32x224xf32>,
    %get3A_569 = arith.constant 0 : index
    %get3A_570 = arith.constant 46 : index
    %get3A_571 = arith.constant 0 : index
    %get3A_572 = vector.load %arg5[%get3A_569, %get3A_570, %get3A_571] : memref<32x224x224xf32, #tpu.memory_space<vmem>>, vector<32x1x224xf32>
    %get3A_573 = vector.shape_cast %get3A_572 : vector<32x1x224xf32> to vector<32x224xf32>
    %swap3A_574 = arith.constant 0 : index
    %swap3A_575 = arith.constant 13 : index
    %swap3A_576 = arith.constant 0 : index
    %swap3A_577 = arith.constant 0 : index
    %swap3A_578 = vector.load %arg3[%swap3A_574, %swap3A_575, %swap3A_576, %swap3A_577] : memref<1x64x32x224xf32, #tpu.memory_space<vmem>>, vector<1x1x32x224xf32>
    %swap3A_579 = vector.shape_cast %swap3A_578 : vector<1x1x32x224xf32> to vector<32x224xf32>
    %swap3A_580 = vector.shape_cast %get3A_573 : vector<32x224xf32> to vector<1x1x32x224xf32>
    tpu.vector_store %arg3[%swap3A_574, %swap3A_575, %swap3A_576, %swap3A_577], %swap3A_580 {strides = array<i32>} : memref<1x64x32x224xf32, #tpu.memory_space<vmem>>, vector<1x1x32x224xf32>,
    %get3A_581 = arith.constant 0 : index
    %get3A_582 = arith.constant 49 : index
    %get3A_583 = arith.constant 0 : index
    %get3A_584 = vector.load %arg5[%get3A_581, %get3A_582, %get3A_583] : memref<32x224x224xf32, #tpu.memory_space<vmem>>, vector<32x1x224xf32>
    %get3A_585 = vector.shape_cast %get3A_584 : vector<32x1x224xf32> to vector<32x224xf32>
    %swap3A_586 = arith.constant 0 : index
    %swap3A_587 = arith.constant 14 : index
    %swap3A_588 = arith.constant 0 : index
    %swap3A_589 = arith.constant 0 : index
    %swap3A_590 = vector.load %arg3[%swap3A_586, %swap3A_587, %swap3A_588, %swap3A_589] : memref<1x64x32x224xf32, #tpu.memory_space<vmem>>, vector<1x1x32x224xf32>
    %swap3A_591 = vector.shape_cast %swap3A_590 : vector<1x1x32x224xf32> to vector<32x224xf32>
    %swap3A_592 = vector.shape_cast %get3A_585 : vector<32x224xf32> to vector<1x1x32x224xf32>
    tpu.vector_store %arg3[%swap3A_586, %swap3A_587, %swap3A_588, %swap3A_589], %swap3A_592 {strides = array<i32>} : memref<1x64x32x224xf32, #tpu.memory_space<vmem>>, vector<1x1x32x224xf32>,
    %get3A_593 = arith.constant 0 : index
    %get3A_594 = arith.constant 53 : index
    %get3A_595 = arith.constant 0 : index
    %get3A_596 = vector.load %arg5[%get3A_593, %get3A_594, %get3A_595] : memref<32x224x224xf32, #tpu.memory_space<vmem>>, vector<32x1x224xf32>
    %get3A_597 = vector.shape_cast %get3A_596 : vector<32x1x224xf32> to vector<32x224xf32>
    %swap3A_598 = arith.constant 0 : index
    %swap3A_599 = arith.constant 15 : index
    %swap3A_600 = arith.constant 0 : index
    %swap3A_601 = arith.constant 0 : index
    %swap3A_602 = vector.load %arg3[%swap3A_598, %swap3A_599, %swap3A_600, %swap3A_601] : memref<1x64x32x224xf32, #tpu.memory_space<vmem>>, vector<1x1x32x224xf32>
    %swap3A_603 = vector.shape_cast %swap3A_602 : vector<1x1x32x224xf32> to vector<32x224xf32>
    %swap3A_604 = vector.shape_cast %get3A_597 : vector<32x224xf32> to vector<1x1x32x224xf32>
    tpu.vector_store %arg3[%swap3A_598, %swap3A_599, %swap3A_600, %swap3A_601], %swap3A_604 {strides = array<i32>} : memref<1x64x32x224xf32, #tpu.memory_space<vmem>>, vector<1x1x32x224xf32>,
    %get3A_605 = arith.constant 0 : index
    %get3A_606 = arith.constant 56 : index
    %get3A_607 = arith.constant 0 : index
    %get3A_608 = vector.load %arg5[%get3A_605, %get3A_606, %get3A_607] : memref<32x224x224xf32, #tpu.memory_space<vmem>>, vector<32x1x224xf32>
    %get3A_609 = vector.shape_cast %get3A_608 : vector<32x1x224xf32> to vector<32x224xf32>
    %swap3A_610 = arith.constant 0 : index
    %swap3A_611 = arith.constant 16 : index
    %swap3A_612 = arith.constant 0 : index
    %swap3A_613 = arith.constant 0 : index
    %swap3A_614 = vector.load %arg3[%swap3A_610, %swap3A_611, %swap3A_612, %swap3A_613] : memref<1x64x32x224xf32, #tpu.memory_space<vmem>>, vector<1x1x32x224xf32>
    %swap3A_615 = vector.shape_cast %swap3A_614 : vector<1x1x32x224xf32> to vector<32x224xf32>
    %swap3A_616 = vector.shape_cast %get3A_609 : vector<32x224xf32> to vector<1x1x32x224xf32>
    tpu.vector_store %arg3[%swap3A_610, %swap3A_611, %swap3A_612, %swap3A_613], %swap3A_616 {strides = array<i32>} : memref<1x64x32x224xf32, #tpu.memory_space<vmem>>, vector<1x1x32x224xf32>,
    %get3A_617 = arith.constant 0 : index
    %get3A_618 = arith.constant 60 : index
    %get3A_619 = arith.constant 0 : index
    %get3A_620 = vector.load %arg5[%get3A_617, %get3A_618, %get3A_619] : memref<32x224x224xf32, #tpu.memory_space<vmem>>, vector<32x1x224xf32>
    %get3A_621 = vector.shape_cast %get3A_620 : vector<32x1x224xf32> to vector<32x224xf32>
    %swap3A_622 = arith.constant 0 : index
    %swap3A_623 = arith.constant 17 : index
    %swap3A_624 = arith.constant 0 : index
    %swap3A_625 = arith.constant 0 : index
    %swap3A_626 = vector.load %arg3[%swap3A_622, %swap3A_623, %swap3A_624, %swap3A_625] : memref<1x64x32x224xf32, #tpu.memory_space<vmem>>, vector<1x1x32x224xf32>
    %swap3A_627 = vector.shape_cast %swap3A_626 : vector<1x1x32x224xf32> to vector<32x224xf32>
    %swap3A_628 = vector.shape_cast %get3A_621 : vector<32x224xf32> to vector<1x1x32x224xf32>
    tpu.vector_store %arg3[%swap3A_622, %swap3A_623, %swap3A_624, %swap3A_625], %swap3A_628 {strides = array<i32>} : memref<1x64x32x224xf32, #tpu.memory_space<vmem>>, vector<1x1x32x224xf32>,
    %get3A_629 = arith.constant 0 : index
    %get3A_630 = arith.constant 63 : index
    %get3A_631 = arith.constant 0 : index
    %get3A_632 = vector.load %arg5[%get3A_629, %get3A_630, %get3A_631] : memref<32x224x224xf32, #tpu.memory_space<vmem>>, vector<32x1x224xf32>
    %get3A_633 = vector.shape_cast %get3A_632 : vector<32x1x224xf32> to vector<32x224xf32>
    %swap3A_634 = arith.constant 0 : index
    %swap3A_635 = arith.constant 18 : index
    %swap3A_636 = arith.constant 0 : index
    %swap3A_637 = arith.constant 0 : index
    %swap3A_638 = vector.load %arg3[%swap3A_634, %swap3A_635, %swap3A_636, %swap3A_637] : memref<1x64x32x224xf32, #tpu.memory_space<vmem>>, vector<1x1x32x224xf32>
    %swap3A_639 = vector.shape_cast %swap3A_638 : vector<1x1x32x224xf32> to vector<32x224xf32>
    %swap3A_640 = vector.shape_cast %get3A_633 : vector<32x224xf32> to vector<1x1x32x224xf32>
    tpu.vector_store %arg3[%swap3A_634, %swap3A_635, %swap3A_636, %swap3A_637], %swap3A_640 {strides = array<i32>} : memref<1x64x32x224xf32, #tpu.memory_space<vmem>>, vector<1x1x32x224xf32>,
    %get3A_641 = arith.constant 0 : index
    %get3A_642 = arith.constant 67 : index
    %get3A_643 = arith.constant 0 : index
    %get3A_644 = vector.load %arg5[%get3A_641, %get3A_642, %get3A_643] : memref<32x224x224xf32, #tpu.memory_space<vmem>>, vector<32x1x224xf32>
    %get3A_645 = vector.shape_cast %get3A_644 : vector<32x1x224xf32> to vector<32x224xf32>
    %swap3A_646 = arith.constant 0 : index
    %swap3A_647 = arith.constant 19 : index
    %swap3A_648 = arith.constant 0 : index
    %swap3A_649 = arith.constant 0 : index
    %swap3A_650 = vector.load %arg3[%swap3A_646, %swap3A_647, %swap3A_648, %swap3A_649] : memref<1x64x32x224xf32, #tpu.memory_space<vmem>>, vector<1x1x32x224xf32>
    %swap3A_651 = vector.shape_cast %swap3A_650 : vector<1x1x32x224xf32> to vector<32x224xf32>
    %swap3A_652 = vector.shape_cast %get3A_645 : vector<32x224xf32> to vector<1x1x32x224xf32>
    tpu.vector_store %arg3[%swap3A_646, %swap3A_647, %swap3A_648, %swap3A_649], %swap3A_652 {strides = array<i32>} : memref<1x64x32x224xf32, #tpu.memory_space<vmem>>, vector<1x1x32x224xf32>,
    %get3A_653 = arith.constant 0 : index
    %get3A_654 = arith.constant 70 : index
    %get3A_655 = arith.constant 0 : index
    %get3A_656 = vector.load %arg5[%get3A_653, %get3A_654, %get3A_655] : memref<32x224x224xf32, #tpu.memory_space<vmem>>, vector<32x1x224xf32>
    %get3A_657 = vector.shape_cast %get3A_656 : vector<32x1x224xf32> to vector<32x224xf32>
    %swap3A_658 = arith.constant 0 : index
    %swap3A_659 = arith.constant 20 : index
    %swap3A_660 = arith.constant 0 : index
    %swap3A_661 = arith.constant 0 : index
    %swap3A_662 = vector.load %arg3[%swap3A_658, %swap3A_659, %swap3A_660, %swap3A_661] : memref<1x64x32x224xf32, #tpu.memory_space<vmem>>, vector<1x1x32x224xf32>
    %swap3A_663 = vector.shape_cast %swap3A_662 : vector<1x1x32x224xf32> to vector<32x224xf32>
    %swap3A_664 = vector.shape_cast %get3A_657 : vector<32x224xf32> to vector<1x1x32x224xf32>
    tpu.vector_store %arg3[%swap3A_658, %swap3A_659, %swap3A_660, %swap3A_661], %swap3A_664 {strides = array<i32>} : memref<1x64x32x224xf32, #tpu.memory_space<vmem>>, vector<1x1x32x224xf32>,
    %get3A_665 = arith.constant 0 : index
    %get3A_666 = arith.constant 74 : index
    %get3A_667 = arith.constant 0 : index
    %get3A_668 = vector.load %arg5[%get3A_665, %get3A_666, %get3A_667] : memref<32x224x224xf32, #tpu.memory_space<vmem>>, vector<32x1x224xf32>
    %get3A_669 = vector.shape_cast %get3A_668 : vector<32x1x224xf32> to vector<32x224xf32>
    %swap3A_670 = arith.constant 0 : index
    %swap3A_671 = arith.constant 21 : index
    %swap3A_672 = arith.constant 0 : index
    %swap3A_673 = arith.constant 0 : index
    %swap3A_674 = vector.load %arg3[%swap3A_670, %swap3A_671, %swap3A_672, %swap3A_673] : memref<1x64x32x224xf32, #tpu.memory_space<vmem>>, vector<1x1x32x224xf32>
    %swap3A_675 = vector.shape_cast %swap3A_674 : vector<1x1x32x224xf32> to vector<32x224xf32>
    %swap3A_676 = vector.shape_cast %get3A_669 : vector<32x224xf32> to vector<1x1x32x224xf32>
    tpu.vector_store %arg3[%swap3A_670, %swap3A_671, %swap3A_672, %swap3A_673], %swap3A_676 {strides = array<i32>} : memref<1x64x32x224xf32, #tpu.memory_space<vmem>>, vector<1x1x32x224xf32>,
    %get3A_677 = arith.constant 0 : index
    %get3A_678 = arith.constant 77 : index
    %get3A_679 = arith.constant 0 : index
    %get3A_680 = vector.load %arg5[%get3A_677, %get3A_678, %get3A_679] : memref<32x224x224xf32, #tpu.memory_space<vmem>>, vector<32x1x224xf32>
    %get3A_681 = vector.shape_cast %get3A_680 : vector<32x1x224xf32> to vector<32x224xf32>
    %swap3A_682 = arith.constant 0 : index
    %swap3A_683 = arith.constant 22 : index
    %swap3A_684 = arith.constant 0 : index
    %swap3A_685 = arith.constant 0 : index
    %swap3A_686 = vector.load %arg3[%swap3A_682, %swap3A_683, %swap3A_684, %swap3A_685] : memref<1x64x32x224xf32, #tpu.memory_space<vmem>>, vector<1x1x32x224xf32>
    %swap3A_687 = vector.shape_cast %swap3A_686 : vector<1x1x32x224xf32> to vector<32x224xf32>
    %swap3A_688 = vector.shape_cast %get3A_681 : vector<32x224xf32> to vector<1x1x32x224xf32>
    tpu.vector_store %arg3[%swap3A_682, %swap3A_683, %swap3A_684, %swap3A_685], %swap3A_688 {strides = array<i32>} : memref<1x64x32x224xf32, #tpu.memory_space<vmem>>, vector<1x1x32x224xf32>,
    %get3A_689 = arith.constant 0 : index
    %get3A_690 = arith.constant 81 : index
    %get3A_691 = arith.constant 0 : index
    %get3A_692 = vector.load %arg5[%get3A_689, %get3A_690, %get3A_691] : memref<32x224x224xf32, #tpu.memory_space<vmem>>, vector<32x1x224xf32>
    %get3A_693 = vector.shape_cast %get3A_692 : vector<32x1x224xf32> to vector<32x224xf32>
    %swap3A_694 = arith.constant 0 : index
    %swap3A_695 = arith.constant 23 : index
    %swap3A_696 = arith.constant 0 : index
    %swap3A_697 = arith.constant 0 : index
    %swap3A_698 = vector.load %arg3[%swap3A_694, %swap3A_695, %swap3A_696, %swap3A_697] : memref<1x64x32x224xf32, #tpu.memory_space<vmem>>, vector<1x1x32x224xf32>
    %swap3A_699 = vector.shape_cast %swap3A_698 : vector<1x1x32x224xf32> to vector<32x224xf32>
    %swap3A_700 = vector.shape_cast %get3A_693 : vector<32x224xf32> to vector<1x1x32x224xf32>
    tpu.vector_store %arg3[%swap3A_694, %swap3A_695, %swap3A_696, %swap3A_697], %swap3A_700 {strides = array<i32>} : memref<1x64x32x224xf32, #tpu.memory_space<vmem>>, vector<1x1x32x224xf32>,
    %get3A_701 = arith.constant 0 : index
    %get3A_702 = arith.constant 84 : index
    %get3A_703 = arith.constant 0 : index
    %get3A_704 = vector.load %arg5[%get3A_701, %get3A_702, %get3A_703] : memref<32x224x224xf32, #tpu.memory_space<vmem>>, vector<32x1x224xf32>
    %get3A_705 = vector.shape_cast %get3A_704 : vector<32x1x224xf32> to vector<32x224xf32>
    %swap3A_706 = arith.constant 0 : index
    %swap3A_707 = arith.constant 24 : index
    %swap3A_708 = arith.constant 0 : index
    %swap3A_709 = arith.constant 0 : index
    %swap3A_710 = vector.load %arg3[%swap3A_706, %swap3A_707, %swap3A_708, %swap3A_709] : memref<1x64x32x224xf32, #tpu.memory_space<vmem>>, vector<1x1x32x224xf32>
    %swap3A_711 = vector.shape_cast %swap3A_710 : vector<1x1x32x224xf32> to vector<32x224xf32>
    %swap3A_712 = vector.shape_cast %get3A_705 : vector<32x224xf32> to vector<1x1x32x224xf32>
    tpu.vector_store %arg3[%swap3A_706, %swap3A_707, %swap3A_708, %swap3A_709], %swap3A_712 {strides = array<i32>} : memref<1x64x32x224xf32, #tpu.memory_space<vmem>>, vector<1x1x32x224xf32>,
    %get3A_713 = arith.constant 0 : index
    %get3A_714 = arith.constant 88 : index
    %get3A_715 = arith.constant 0 : index
    %get3A_716 = vector.load %arg5[%get3A_713, %get3A_714, %get3A_715] : memref<32x224x224xf32, #tpu.memory_space<vmem>>, vector<32x1x224xf32>
    %get3A_717 = vector.shape_cast %get3A_716 : vector<32x1x224xf32> to vector<32x224xf32>
    %swap3A_718 = arith.constant 0 : index
    %swap3A_719 = arith.constant 25 : index
    %swap3A_720 = arith.constant 0 : index
    %swap3A_721 = arith.constant 0 : index
    %swap3A_722 = vector.load %arg3[%swap3A_718, %swap3A_719, %swap3A_720, %swap3A_721] : memref<1x64x32x224xf32, #tpu.memory_space<vmem>>, vector<1x1x32x224xf32>
    %swap3A_723 = vector.shape_cast %swap3A_722 : vector<1x1x32x224xf32> to vector<32x224xf32>
    %swap3A_724 = vector.shape_cast %get3A_717 : vector<32x224xf32> to vector<1x1x32x224xf32>
    tpu.vector_store %arg3[%swap3A_718, %swap3A_719, %swap3A_720, %swap3A_721], %swap3A_724 {strides = array<i32>} : memref<1x64x32x224xf32, #tpu.memory_space<vmem>>, vector<1x1x32x224xf32>,
    %get3A_725 = arith.constant 0 : index
    %get3A_726 = arith.constant 92 : index
    %get3A_727 = arith.constant 0 : index
    %get3A_728 = vector.load %arg5[%get3A_725, %get3A_726, %get3A_727] : memref<32x224x224xf32, #tpu.memory_space<vmem>>, vector<32x1x224xf32>
    %get3A_729 = vector.shape_cast %get3A_728 : vector<32x1x224xf32> to vector<32x224xf32>
    %swap3A_730 = arith.constant 0 : index
    %swap3A_731 = arith.constant 26 : index
    %swap3A_732 = arith.constant 0 : index
    %swap3A_733 = arith.constant 0 : index
    %swap3A_734 = vector.load %arg3[%swap3A_730, %swap3A_731, %swap3A_732, %swap3A_733] : memref<1x64x32x224xf32, #tpu.memory_space<vmem>>, vector<1x1x32x224xf32>
    %swap3A_735 = vector.shape_cast %swap3A_734 : vector<1x1x32x224xf32> to vector<32x224xf32>
    %swap3A_736 = vector.shape_cast %get3A_729 : vector<32x224xf32> to vector<1x1x32x224xf32>
    tpu.vector_store %arg3[%swap3A_730, %swap3A_731, %swap3A_732, %swap3A_733], %swap3A_736 {strides = array<i32>} : memref<1x64x32x224xf32, #tpu.memory_space<vmem>>, vector<1x1x32x224xf32>,
    %get3A_737 = arith.constant 0 : index
    %get3A_738 = arith.constant 95 : index
    %get3A_739 = arith.constant 0 : index
    %get3A_740 = vector.load %arg5[%get3A_737, %get3A_738, %get3A_739] : memref<32x224x224xf32, #tpu.memory_space<vmem>>, vector<32x1x224xf32>
    %get3A_741 = vector.shape_cast %get3A_740 : vector<32x1x224xf32> to vector<32x224xf32>
    %swap3A_742 = arith.constant 0 : index
    %swap3A_743 = arith.constant 27 : index
    %swap3A_744 = arith.constant 0 : index
    %swap3A_745 = arith.constant 0 : index
    %swap3A_746 = vector.load %arg3[%swap3A_742, %swap3A_743, %swap3A_744, %swap3A_745] : memref<1x64x32x224xf32, #tpu.memory_space<vmem>>, vector<1x1x32x224xf32>
    %swap3A_747 = vector.shape_cast %swap3A_746 : vector<1x1x32x224xf32> to vector<32x224xf32>
    %swap3A_748 = vector.shape_cast %get3A_741 : vector<32x224xf32> to vector<1x1x32x224xf32>
    tpu.vector_store %arg3[%swap3A_742, %swap3A_743, %swap3A_744, %swap3A_745], %swap3A_748 {strides = array<i32>} : memref<1x64x32x224xf32, #tpu.memory_space<vmem>>, vector<1x1x32x224xf32>,
    %get3A_749 = arith.constant 0 : index
    %get3A_750 = arith.constant 99 : index
    %get3A_751 = arith.constant 0 : index
    %get3A_752 = vector.load %arg5[%get3A_749, %get3A_750, %get3A_751] : memref<32x224x224xf32, #tpu.memory_space<vmem>>, vector<32x1x224xf32>
    %get3A_753 = vector.shape_cast %get3A_752 : vector<32x1x224xf32> to vector<32x224xf32>
    %swap3A_754 = arith.constant 0 : index
    %swap3A_755 = arith.constant 28 : index
    %swap3A_756 = arith.constant 0 : index
    %swap3A_757 = arith.constant 0 : index
    %swap3A_758 = vector.load %arg3[%swap3A_754, %swap3A_755, %swap3A_756, %swap3A_757] : memref<1x64x32x224xf32, #tpu.memory_space<vmem>>, vector<1x1x32x224xf32>
    %swap3A_759 = vector.shape_cast %swap3A_758 : vector<1x1x32x224xf32> to vector<32x224xf32>
    %swap3A_760 = vector.shape_cast %get3A_753 : vector<32x224xf32> to vector<1x1x32x224xf32>
    tpu.vector_store %arg3[%swap3A_754, %swap3A_755, %swap3A_756, %swap3A_757], %swap3A_760 {strides = array<i32>} : memref<1x64x32x224xf32, #tpu.memory_space<vmem>>, vector<1x1x32x224xf32>,
    %get3A_761 = arith.constant 0 : index
    %get3A_762 = arith.constant 102 : index
    %get3A_763 = arith.constant 0 : index
    %get3A_764 = vector.load %arg5[%get3A_761, %get3A_762, %get3A_763] : memref<32x224x224xf32, #tpu.memory_space<vmem>>, vector<32x1x224xf32>
    %get3A_765 = vector.shape_cast %get3A_764 : vector<32x1x224xf32> to vector<32x224xf32>
    %swap3A_766 = arith.constant 0 : index
    %swap3A_767 = arith.constant 29 : index
    %swap3A_768 = arith.constant 0 : index
    %swap3A_769 = arith.constant 0 : index
    %swap3A_770 = vector.load %arg3[%swap3A_766, %swap3A_767, %swap3A_768, %swap3A_769] : memref<1x64x32x224xf32, #tpu.memory_space<vmem>>, vector<1x1x32x224xf32>
    %swap3A_771 = vector.shape_cast %swap3A_770 : vector<1x1x32x224xf32> to vector<32x224xf32>
    %swap3A_772 = vector.shape_cast %get3A_765 : vector<32x224xf32> to vector<1x1x32x224xf32>
    tpu.vector_store %arg3[%swap3A_766, %swap3A_767, %swap3A_768, %swap3A_769], %swap3A_772 {strides = array<i32>} : memref<1x64x32x224xf32, #tpu.memory_space<vmem>>, vector<1x1x32x224xf32>,
    %get3A_773 = arith.constant 0 : index
    %get3A_774 = arith.constant 106 : index
    %get3A_775 = arith.constant 0 : index
    %get3A_776 = vector.load %arg5[%get3A_773, %get3A_774, %get3A_775] : memref<32x224x224xf32, #tpu.memory_space<vmem>>, vector<32x1x224xf32>
    %get3A_777 = vector.shape_cast %get3A_776 : vector<32x1x224xf32> to vector<32x224xf32>
    %swap3A_778 = arith.constant 0 : index
    %swap3A_779 = arith.constant 30 : index
    %swap3A_780 = arith.constant 0 : index
    %swap3A_781 = arith.constant 0 : index
    %swap3A_782 = vector.load %arg3[%swap3A_778, %swap3A_779, %swap3A_780, %swap3A_781] : memref<1x64x32x224xf32, #tpu.memory_space<vmem>>, vector<1x1x32x224xf32>
    %swap3A_783 = vector.shape_cast %swap3A_782 : vector<1x1x32x224xf32> to vector<32x224xf32>
    %swap3A_784 = vector.shape_cast %get3A_777 : vector<32x224xf32> to vector<1x1x32x224xf32>
    tpu.vector_store %arg3[%swap3A_778, %swap3A_779, %swap3A_780, %swap3A_781], %swap3A_784 {strides = array<i32>} : memref<1x64x32x224xf32, #tpu.memory_space<vmem>>, vector<1x1x32x224xf32>,
    %get3A_785 = arith.constant 0 : index
    %get3A_786 = arith.constant 109 : index
    %get3A_787 = arith.constant 0 : index
    %get3A_788 = vector.load %arg5[%get3A_785, %get3A_786, %get3A_787] : memref<32x224x224xf32, #tpu.memory_space<vmem>>, vector<32x1x224xf32>
    %get3A_789 = vector.shape_cast %get3A_788 : vector<32x1x224xf32> to vector<32x224xf32>
    %swap3A_790 = arith.constant 0 : index
    %swap3A_791 = arith.constant 31 : index
    %swap3A_792 = arith.constant 0 : index
    %swap3A_793 = arith.constant 0 : index
    %swap3A_794 = vector.load %arg3[%swap3A_790, %swap3A_791, %swap3A_792, %swap3A_793] : memref<1x64x32x224xf32, #tpu.memory_space<vmem>>, vector<1x1x32x224xf32>
    %swap3A_795 = vector.shape_cast %swap3A_794 : vector<1x1x32x224xf32> to vector<32x224xf32>
    %swap3A_796 = vector.shape_cast %get3A_789 : vector<32x224xf32> to vector<1x1x32x224xf32>
    tpu.vector_store %arg3[%swap3A_790, %swap3A_791, %swap3A_792, %swap3A_793], %swap3A_796 {strides = array<i32>} : memref<1x64x32x224xf32, #tpu.memory_space<vmem>>, vector<1x1x32x224xf32>,
    %get3A_797 = arith.constant 0 : index
    %get3A_798 = arith.constant 113 : index
    %get3A_799 = arith.constant 0 : index
    %get3A_800 = vector.load %arg5[%get3A_797, %get3A_798, %get3A_799] : memref<32x224x224xf32, #tpu.memory_space<vmem>>, vector<32x1x224xf32>
    %get3A_801 = vector.shape_cast %get3A_800 : vector<32x1x224xf32> to vector<32x224xf32>
    %swap3A_802 = arith.constant 0 : index
    %swap3A_803 = arith.constant 32 : index
    %swap3A_804 = arith.constant 0 : index
    %swap3A_805 = arith.constant 0 : index
    %swap3A_806 = vector.load %arg3[%swap3A_802, %swap3A_803, %swap3A_804, %swap3A_805] : memref<1x64x32x224xf32, #tpu.memory_space<vmem>>, vector<1x1x32x224xf32>
    %swap3A_807 = vector.shape_cast %swap3A_806 : vector<1x1x32x224xf32> to vector<32x224xf32>
    %swap3A_808 = vector.shape_cast %get3A_801 : vector<32x224xf32> to vector<1x1x32x224xf32>
    tpu.vector_store %arg3[%swap3A_802, %swap3A_803, %swap3A_804, %swap3A_805], %swap3A_808 {strides = array<i32>} : memref<1x64x32x224xf32, #tpu.memory_space<vmem>>, vector<1x1x32x224xf32>,
    %get3A_809 = arith.constant 0 : index
    %get3A_810 = arith.constant 116 : index
    %get3A_811 = arith.constant 0 : index
    %get3A_812 = vector.load %arg5[%get3A_809, %get3A_810, %get3A_811] : memref<32x224x224xf32, #tpu.memory_space<vmem>>, vector<32x1x224xf32>
    %get3A_813 = vector.shape_cast %get3A_812 : vector<32x1x224xf32> to vector<32x224xf32>
    %swap3A_814 = arith.constant 0 : index
    %swap3A_815 = arith.constant 33 : index
    %swap3A_816 = arith.constant 0 : index
    %swap3A_817 = arith.constant 0 : index
    %swap3A_818 = vector.load %arg3[%swap3A_814, %swap3A_815, %swap3A_816, %swap3A_817] : memref<1x64x32x224xf32, #tpu.memory_space<vmem>>, vector<1x1x32x224xf32>
    %swap3A_819 = vector.shape_cast %swap3A_818 : vector<1x1x32x224xf32> to vector<32x224xf32>
    %swap3A_820 = vector.shape_cast %get3A_813 : vector<32x224xf32> to vector<1x1x32x224xf32>
    tpu.vector_store %arg3[%swap3A_814, %swap3A_815, %swap3A_816, %swap3A_817], %swap3A_820 {strides = array<i32>} : memref<1x64x32x224xf32, #tpu.memory_space<vmem>>, vector<1x1x32x224xf32>,
    %get3A_821 = arith.constant 0 : index
    %get3A_822 = arith.constant 120 : index
    %get3A_823 = arith.constant 0 : index
    %get3A_824 = vector.load %arg5[%get3A_821, %get3A_822, %get3A_823] : memref<32x224x224xf32, #tpu.memory_space<vmem>>, vector<32x1x224xf32>
    %get3A_825 = vector.shape_cast %get3A_824 : vector<32x1x224xf32> to vector<32x224xf32>
    %swap3A_826 = arith.constant 0 : index
    %swap3A_827 = arith.constant 34 : index
    %swap3A_828 = arith.constant 0 : index
    %swap3A_829 = arith.constant 0 : index
    %swap3A_830 = vector.load %arg3[%swap3A_826, %swap3A_827, %swap3A_828, %swap3A_829] : memref<1x64x32x224xf32, #tpu.memory_space<vmem>>, vector<1x1x32x224xf32>
    %swap3A_831 = vector.shape_cast %swap3A_830 : vector<1x1x32x224xf32> to vector<32x224xf32>
    %swap3A_832 = vector.shape_cast %get3A_825 : vector<32x224xf32> to vector<1x1x32x224xf32>
    tpu.vector_store %arg3[%swap3A_826, %swap3A_827, %swap3A_828, %swap3A_829], %swap3A_832 {strides = array<i32>} : memref<1x64x32x224xf32, #tpu.memory_space<vmem>>, vector<1x1x32x224xf32>,
    %get3A_833 = arith.constant 0 : index
    %get3A_834 = arith.constant 123 : index
    %get3A_835 = arith.constant 0 : index
    %get3A_836 = vector.load %arg5[%get3A_833, %get3A_834, %get3A_835] : memref<32x224x224xf32, #tpu.memory_space<vmem>>, vector<32x1x224xf32>
    %get3A_837 = vector.shape_cast %get3A_836 : vector<32x1x224xf32> to vector<32x224xf32>
    %swap3A_838 = arith.constant 0 : index
    %swap3A_839 = arith.constant 35 : index
    %swap3A_840 = arith.constant 0 : index
    %swap3A_841 = arith.constant 0 : index
    %swap3A_842 = vector.load %arg3[%swap3A_838, %swap3A_839, %swap3A_840, %swap3A_841] : memref<1x64x32x224xf32, #tpu.memory_space<vmem>>, vector<1x1x32x224xf32>
    %swap3A_843 = vector.shape_cast %swap3A_842 : vector<1x1x32x224xf32> to vector<32x224xf32>
    %swap3A_844 = vector.shape_cast %get3A_837 : vector<32x224xf32> to vector<1x1x32x224xf32>
    tpu.vector_store %arg3[%swap3A_838, %swap3A_839, %swap3A_840, %swap3A_841], %swap3A_844 {strides = array<i32>} : memref<1x64x32x224xf32, #tpu.memory_space<vmem>>, vector<1x1x32x224xf32>,
    %get3A_845 = arith.constant 0 : index
    %get3A_846 = arith.constant 127 : index
    %get3A_847 = arith.constant 0 : index
    %get3A_848 = vector.load %arg5[%get3A_845, %get3A_846, %get3A_847] : memref<32x224x224xf32, #tpu.memory_space<vmem>>, vector<32x1x224xf32>
    %get3A_849 = vector.shape_cast %get3A_848 : vector<32x1x224xf32> to vector<32x224xf32>
    %swap3A_850 = arith.constant 0 : index
    %swap3A_851 = arith.constant 36 : index
    %swap3A_852 = arith.constant 0 : index
    %swap3A_853 = arith.constant 0 : index
    %swap3A_854 = vector.load %arg3[%swap3A_850, %swap3A_851, %swap3A_852, %swap3A_853] : memref<1x64x32x224xf32, #tpu.memory_space<vmem>>, vector<1x1x32x224xf32>
    %swap3A_855 = vector.shape_cast %swap3A_854 : vector<1x1x32x224xf32> to vector<32x224xf32>
    %swap3A_856 = vector.shape_cast %get3A_849 : vector<32x224xf32> to vector<1x1x32x224xf32>
    tpu.vector_store %arg3[%swap3A_850, %swap3A_851, %swap3A_852, %swap3A_853], %swap3A_856 {strides = array<i32>} : memref<1x64x32x224xf32, #tpu.memory_space<vmem>>, vector<1x1x32x224xf32>,
    %get3A_857 = arith.constant 0 : index
    %get3A_858 = arith.constant 130 : index
    %get3A_859 = arith.constant 0 : index
    %get3A_860 = vector.load %arg5[%get3A_857, %get3A_858, %get3A_859] : memref<32x224x224xf32, #tpu.memory_space<vmem>>, vector<32x1x224xf32>
    %get3A_861 = vector.shape_cast %get3A_860 : vector<32x1x224xf32> to vector<32x224xf32>
    %swap3A_862 = arith.constant 0 : index
    %swap3A_863 = arith.constant 37 : index
    %swap3A_864 = arith.constant 0 : index
    %swap3A_865 = arith.constant 0 : index
    %swap3A_866 = vector.load %arg3[%swap3A_862, %swap3A_863, %swap3A_864, %swap3A_865] : memref<1x64x32x224xf32, #tpu.memory_space<vmem>>, vector<1x1x32x224xf32>
    %swap3A_867 = vector.shape_cast %swap3A_866 : vector<1x1x32x224xf32> to vector<32x224xf32>
    %swap3A_868 = vector.shape_cast %get3A_861 : vector<32x224xf32> to vector<1x1x32x224xf32>
    tpu.vector_store %arg3[%swap3A_862, %swap3A_863, %swap3A_864, %swap3A_865], %swap3A_868 {strides = array<i32>} : memref<1x64x32x224xf32, #tpu.memory_space<vmem>>, vector<1x1x32x224xf32>,
    %get3A_869 = arith.constant 0 : index
    %get3A_870 = arith.constant 134 : index
    %get3A_871 = arith.constant 0 : index
    %get3A_872 = vector.load %arg5[%get3A_869, %get3A_870, %get3A_871] : memref<32x224x224xf32, #tpu.memory_space<vmem>>, vector<32x1x224xf32>
    %get3A_873 = vector.shape_cast %get3A_872 : vector<32x1x224xf32> to vector<32x224xf32>
    %swap3A_874 = arith.constant 0 : index
    %swap3A_875 = arith.constant 38 : index
    %swap3A_876 = arith.constant 0 : index
    %swap3A_877 = arith.constant 0 : index
    %swap3A_878 = vector.load %arg3[%swap3A_874, %swap3A_875, %swap3A_876, %swap3A_877] : memref<1x64x32x224xf32, #tpu.memory_space<vmem>>, vector<1x1x32x224xf32>
    %swap3A_879 = vector.shape_cast %swap3A_878 : vector<1x1x32x224xf32> to vector<32x224xf32>
    %swap3A_880 = vector.shape_cast %get3A_873 : vector<32x224xf32> to vector<1x1x32x224xf32>
    tpu.vector_store %arg3[%swap3A_874, %swap3A_875, %swap3A_876, %swap3A_877], %swap3A_880 {strides = array<i32>} : memref<1x64x32x224xf32, #tpu.memory_space<vmem>>, vector<1x1x32x224xf32>,
    %get3A_881 = arith.constant 0 : index
    %get3A_882 = arith.constant 138 : index
    %get3A_883 = arith.constant 0 : index
    %get3A_884 = vector.load %arg5[%get3A_881, %get3A_882, %get3A_883] : memref<32x224x224xf32, #tpu.memory_space<vmem>>, vector<32x1x224xf32>
    %get3A_885 = vector.shape_cast %get3A_884 : vector<32x1x224xf32> to vector<32x224xf32>
    %swap3A_886 = arith.constant 0 : index
    %swap3A_887 = arith.constant 39 : index
    %swap3A_888 = arith.constant 0 : index
    %swap3A_889 = arith.constant 0 : index
    %swap3A_890 = vector.load %arg3[%swap3A_886, %swap3A_887, %swap3A_888, %swap3A_889] : memref<1x64x32x224xf32, #tpu.memory_space<vmem>>, vector<1x1x32x224xf32>
    %swap3A_891 = vector.shape_cast %swap3A_890 : vector<1x1x32x224xf32> to vector<32x224xf32>
    %swap3A_892 = vector.shape_cast %get3A_885 : vector<32x224xf32> to vector<1x1x32x224xf32>
    tpu.vector_store %arg3[%swap3A_886, %swap3A_887, %swap3A_888, %swap3A_889], %swap3A_892 {strides = array<i32>} : memref<1x64x32x224xf32, #tpu.memory_space<vmem>>, vector<1x1x32x224xf32>,
    %get3A_893 = arith.constant 0 : index
    %get3A_894 = arith.constant 141 : index
    %get3A_895 = arith.constant 0 : index
    %get3A_896 = vector.load %arg5[%get3A_893, %get3A_894, %get3A_895] : memref<32x224x224xf32, #tpu.memory_space<vmem>>, vector<32x1x224xf32>
    %get3A_897 = vector.shape_cast %get3A_896 : vector<32x1x224xf32> to vector<32x224xf32>
    %swap3A_898 = arith.constant 0 : index
    %swap3A_899 = arith.constant 40 : index
    %swap3A_900 = arith.constant 0 : index
    %swap3A_901 = arith.constant 0 : index
    %swap3A_902 = vector.load %arg3[%swap3A_898, %swap3A_899, %swap3A_900, %swap3A_901] : memref<1x64x32x224xf32, #tpu.memory_space<vmem>>, vector<1x1x32x224xf32>
    %swap3A_903 = vector.shape_cast %swap3A_902 : vector<1x1x32x224xf32> to vector<32x224xf32>
    %swap3A_904 = vector.shape_cast %get3A_897 : vector<32x224xf32> to vector<1x1x32x224xf32>
    tpu.vector_store %arg3[%swap3A_898, %swap3A_899, %swap3A_900, %swap3A_901], %swap3A_904 {strides = array<i32>} : memref<1x64x32x224xf32, #tpu.memory_space<vmem>>, vector<1x1x32x224xf32>,
    %get3A_905 = arith.constant 0 : index
    %get3A_906 = arith.constant 145 : index
    %get3A_907 = arith.constant 0 : index
    %get3A_908 = vector.load %arg5[%get3A_905, %get3A_906, %get3A_907] : memref<32x224x224xf32, #tpu.memory_space<vmem>>, vector<32x1x224xf32>
    %get3A_909 = vector.shape_cast %get3A_908 : vector<32x1x224xf32> to vector<32x224xf32>
    %swap3A_910 = arith.constant 0 : index
    %swap3A_911 = arith.constant 41 : index
    %swap3A_912 = arith.constant 0 : index
    %swap3A_913 = arith.constant 0 : index
    %swap3A_914 = vector.load %arg3[%swap3A_910, %swap3A_911, %swap3A_912, %swap3A_913] : memref<1x64x32x224xf32, #tpu.memory_space<vmem>>, vector<1x1x32x224xf32>
    %swap3A_915 = vector.shape_cast %swap3A_914 : vector<1x1x32x224xf32> to vector<32x224xf32>
    %swap3A_916 = vector.shape_cast %get3A_909 : vector<32x224xf32> to vector<1x1x32x224xf32>
    tpu.vector_store %arg3[%swap3A_910, %swap3A_911, %swap3A_912, %swap3A_913], %swap3A_916 {strides = array<i32>} : memref<1x64x32x224xf32, #tpu.memory_space<vmem>>, vector<1x1x32x224xf32>,
    %get3A_917 = arith.constant 0 : index
    %get3A_918 = arith.constant 148 : index
    %get3A_919 = arith.constant 0 : index
    %get3A_920 = vector.load %arg5[%get3A_917, %get3A_918, %get3A_919] : memref<32x224x224xf32, #tpu.memory_space<vmem>>, vector<32x1x224xf32>
    %get3A_921 = vector.shape_cast %get3A_920 : vector<32x1x224xf32> to vector<32x224xf32>
    %swap3A_922 = arith.constant 0 : index
    %swap3A_923 = arith.constant 42 : index
    %swap3A_924 = arith.constant 0 : index
    %swap3A_925 = arith.constant 0 : index
    %swap3A_926 = vector.load %arg3[%swap3A_922, %swap3A_923, %swap3A_924, %swap3A_925] : memref<1x64x32x224xf32, #tpu.memory_space<vmem>>, vector<1x1x32x224xf32>
    %swap3A_927 = vector.shape_cast %swap3A_926 : vector<1x1x32x224xf32> to vector<32x224xf32>
    %swap3A_928 = vector.shape_cast %get3A_921 : vector<32x224xf32> to vector<1x1x32x224xf32>
    tpu.vector_store %arg3[%swap3A_922, %swap3A_923, %swap3A_924, %swap3A_925], %swap3A_928 {strides = array<i32>} : memref<1x64x32x224xf32, #tpu.memory_space<vmem>>, vector<1x1x32x224xf32>,
    %get3A_929 = arith.constant 0 : index
    %get3A_930 = arith.constant 152 : index
    %get3A_931 = arith.constant 0 : index
    %get3A_932 = vector.load %arg5[%get3A_929, %get3A_930, %get3A_931] : memref<32x224x224xf32, #tpu.memory_space<vmem>>, vector<32x1x224xf32>
    %get3A_933 = vector.shape_cast %get3A_932 : vector<32x1x224xf32> to vector<32x224xf32>
    %swap3A_934 = arith.constant 0 : index
    %swap3A_935 = arith.constant 43 : index
    %swap3A_936 = arith.constant 0 : index
    %swap3A_937 = arith.constant 0 : index
    %swap3A_938 = vector.load %arg3[%swap3A_934, %swap3A_935, %swap3A_936, %swap3A_937] : memref<1x64x32x224xf32, #tpu.memory_space<vmem>>, vector<1x1x32x224xf32>
    %swap3A_939 = vector.shape_cast %swap3A_938 : vector<1x1x32x224xf32> to vector<32x224xf32>
    %swap3A_940 = vector.shape_cast %get3A_933 : vector<32x224xf32> to vector<1x1x32x224xf32>
    tpu.vector_store %arg3[%swap3A_934, %swap3A_935, %swap3A_936, %swap3A_937], %swap3A_940 {strides = array<i32>} : memref<1x64x32x224xf32, #tpu.memory_space<vmem>>, vector<1x1x32x224xf32>,
    %get3A_941 = arith.constant 0 : index
    %get3A_942 = arith.constant 155 : index
    %get3A_943 = arith.constant 0 : index
    %get3A_944 = vector.load %arg5[%get3A_941, %get3A_942, %get3A_943] : memref<32x224x224xf32, #tpu.memory_space<vmem>>, vector<32x1x224xf32>
    %get3A_945 = vector.shape_cast %get3A_944 : vector<32x1x224xf32> to vector<32x224xf32>
    %swap3A_946 = arith.constant 0 : index
    %swap3A_947 = arith.constant 44 : index
    %swap3A_948 = arith.constant 0 : index
    %swap3A_949 = arith.constant 0 : index
    %swap3A_950 = vector.load %arg3[%swap3A_946, %swap3A_947, %swap3A_948, %swap3A_949] : memref<1x64x32x224xf32, #tpu.memory_space<vmem>>, vector<1x1x32x224xf32>
    %swap3A_951 = vector.shape_cast %swap3A_950 : vector<1x1x32x224xf32> to vector<32x224xf32>
    %swap3A_952 = vector.shape_cast %get3A_945 : vector<32x224xf32> to vector<1x1x32x224xf32>
    tpu.vector_store %arg3[%swap3A_946, %swap3A_947, %swap3A_948, %swap3A_949], %swap3A_952 {strides = array<i32>} : memref<1x64x32x224xf32, #tpu.memory_space<vmem>>, vector<1x1x32x224xf32>,
    %get3A_953 = arith.constant 0 : index
    %get3A_954 = arith.constant 159 : index
    %get3A_955 = arith.constant 0 : index
    %get3A_956 = vector.load %arg5[%get3A_953, %get3A_954, %get3A_955] : memref<32x224x224xf32, #tpu.memory_space<vmem>>, vector<32x1x224xf32>
    %get3A_957 = vector.shape_cast %get3A_956 : vector<32x1x224xf32> to vector<32x224xf32>
    %swap3A_958 = arith.constant 0 : index
    %swap3A_959 = arith.constant 45 : index
    %swap3A_960 = arith.constant 0 : index
    %swap3A_961 = arith.constant 0 : index
    %swap3A_962 = vector.load %arg3[%swap3A_958, %swap3A_959, %swap3A_960, %swap3A_961] : memref<1x64x32x224xf32, #tpu.memory_space<vmem>>, vector<1x1x32x224xf32>
    %swap3A_963 = vector.shape_cast %swap3A_962 : vector<1x1x32x224xf32> to vector<32x224xf32>
    %swap3A_964 = vector.shape_cast %get3A_957 : vector<32x224xf32> to vector<1x1x32x224xf32>
    tpu.vector_store %arg3[%swap3A_958, %swap3A_959, %swap3A_960, %swap3A_961], %swap3A_964 {strides = array<i32>} : memref<1x64x32x224xf32, #tpu.memory_space<vmem>>, vector<1x1x32x224xf32>,
    %get3A_965 = arith.constant 0 : index
    %get3A_966 = arith.constant 162 : index
    %get3A_967 = arith.constant 0 : index
    %get3A_968 = vector.load %arg5[%get3A_965, %get3A_966, %get3A_967] : memref<32x224x224xf32, #tpu.memory_space<vmem>>, vector<32x1x224xf32>
    %get3A_969 = vector.shape_cast %get3A_968 : vector<32x1x224xf32> to vector<32x224xf32>
    %swap3A_970 = arith.constant 0 : index
    %swap3A_971 = arith.constant 46 : index
    %swap3A_972 = arith.constant 0 : index
    %swap3A_973 = arith.constant 0 : index
    %swap3A_974 = vector.load %arg3[%swap3A_970, %swap3A_971, %swap3A_972, %swap3A_973] : memref<1x64x32x224xf32, #tpu.memory_space<vmem>>, vector<1x1x32x224xf32>
    %swap3A_975 = vector.shape_cast %swap3A_974 : vector<1x1x32x224xf32> to vector<32x224xf32>
    %swap3A_976 = vector.shape_cast %get3A_969 : vector<32x224xf32> to vector<1x1x32x224xf32>
    tpu.vector_store %arg3[%swap3A_970, %swap3A_971, %swap3A_972, %swap3A_973], %swap3A_976 {strides = array<i32>} : memref<1x64x32x224xf32, #tpu.memory_space<vmem>>, vector<1x1x32x224xf32>,
    %get3A_977 = arith.constant 0 : index
    %get3A_978 = arith.constant 166 : index
    %get3A_979 = arith.constant 0 : index
    %get3A_980 = vector.load %arg5[%get3A_977, %get3A_978, %get3A_979] : memref<32x224x224xf32, #tpu.memory_space<vmem>>, vector<32x1x224xf32>
    %get3A_981 = vector.shape_cast %get3A_980 : vector<32x1x224xf32> to vector<32x224xf32>
    %swap3A_982 = arith.constant 0 : index
    %swap3A_983 = arith.constant 47 : index
    %swap3A_984 = arith.constant 0 : index
    %swap3A_985 = arith.constant 0 : index
    %swap3A_986 = vector.load %arg3[%swap3A_982, %swap3A_983, %swap3A_984, %swap3A_985] : memref<1x64x32x224xf32, #tpu.memory_space<vmem>>, vector<1x1x32x224xf32>
    %swap3A_987 = vector.shape_cast %swap3A_986 : vector<1x1x32x224xf32> to vector<32x224xf32>
    %swap3A_988 = vector.shape_cast %get3A_981 : vector<32x224xf32> to vector<1x1x32x224xf32>
    tpu.vector_store %arg3[%swap3A_982, %swap3A_983, %swap3A_984, %swap3A_985], %swap3A_988 {strides = array<i32>} : memref<1x64x32x224xf32, #tpu.memory_space<vmem>>, vector<1x1x32x224xf32>,
    %get3A_989 = arith.constant 0 : index
    %get3A_990 = arith.constant 169 : index
    %get3A_991 = arith.constant 0 : index
    %get3A_992 = vector.load %arg5[%get3A_989, %get3A_990, %get3A_991] : memref<32x224x224xf32, #tpu.memory_space<vmem>>, vector<32x1x224xf32>
    %get3A_993 = vector.shape_cast %get3A_992 : vector<32x1x224xf32> to vector<32x224xf32>
    %swap3A_994 = arith.constant 0 : index
    %swap3A_995 = arith.constant 48 : index
    %swap3A_996 = arith.constant 0 : index
    %swap3A_997 = arith.constant 0 : index
    %swap3A_998 = vector.load %arg3[%swap3A_994, %swap3A_995, %swap3A_996, %swap3A_997] : memref<1x64x32x224xf32, #tpu.memory_space<vmem>>, vector<1x1x32x224xf32>
    %swap3A_999 = vector.shape_cast %swap3A_998 : vector<1x1x32x224xf32> to vector<32x224xf32>
    %swap3A_1000 = vector.shape_cast %get3A_993 : vector<32x224xf32> to vector<1x1x32x224xf32>
    tpu.vector_store %arg3[%swap3A_994, %swap3A_995, %swap3A_996, %swap3A_997], %swap3A_1000 {strides = array<i32>} : memref<1x64x32x224xf32, #tpu.memory_space<vmem>>, vector<1x1x32x224xf32>,
    %get3A_1001 = arith.constant 0 : index
    %get3A_1002 = arith.constant 173 : index
    %get3A_1003 = arith.constant 0 : index
    %get3A_1004 = vector.load %arg5[%get3A_1001, %get3A_1002, %get3A_1003] : memref<32x224x224xf32, #tpu.memory_space<vmem>>, vector<32x1x224xf32>
    %get3A_1005 = vector.shape_cast %get3A_1004 : vector<32x1x224xf32> to vector<32x224xf32>
    %swap3A_1006 = arith.constant 0 : index
    %swap3A_1007 = arith.constant 49 : index
    %swap3A_1008 = arith.constant 0 : index
    %swap3A_1009 = arith.constant 0 : index
    %swap3A_1010 = vector.load %arg3[%swap3A_1006, %swap3A_1007, %swap3A_1008, %swap3A_1009] : memref<1x64x32x224xf32, #tpu.memory_space<vmem>>, vector<1x1x32x224xf32>
    %swap3A_1011 = vector.shape_cast %swap3A_1010 : vector<1x1x32x224xf32> to vector<32x224xf32>
    %swap3A_1012 = vector.shape_cast %get3A_1005 : vector<32x224xf32> to vector<1x1x32x224xf32>
    tpu.vector_store %arg3[%swap3A_1006, %swap3A_1007, %swap3A_1008, %swap3A_1009], %swap3A_1012 {strides = array<i32>} : memref<1x64x32x224xf32, #tpu.memory_space<vmem>>, vector<1x1x32x224xf32>,
    %get3A_1013 = arith.constant 0 : index
    %get3A_1014 = arith.constant 176 : index
    %get3A_1015 = arith.constant 0 : index
    %get3A_1016 = vector.load %arg5[%get3A_1013, %get3A_1014, %get3A_1015] : memref<32x224x224xf32, #tpu.memory_space<vmem>>, vector<32x1x224xf32>
    %get3A_1017 = vector.shape_cast %get3A_1016 : vector<32x1x224xf32> to vector<32x224xf32>
    %swap3A_1018 = arith.constant 0 : index
    %swap3A_1019 = arith.constant 50 : index
    %swap3A_1020 = arith.constant 0 : index
    %swap3A_1021 = arith.constant 0 : index
    %swap3A_1022 = vector.load %arg3[%swap3A_1018, %swap3A_1019, %swap3A_1020, %swap3A_1021] : memref<1x64x32x224xf32, #tpu.memory_space<vmem>>, vector<1x1x32x224xf32>
    %swap3A_1023 = vector.shape_cast %swap3A_1022 : vector<1x1x32x224xf32> to vector<32x224xf32>
    %swap3A_1024 = vector.shape_cast %get3A_1017 : vector<32x224xf32> to vector<1x1x32x224xf32>
    tpu.vector_store %arg3[%swap3A_1018, %swap3A_1019, %swap3A_1020, %swap3A_1021], %swap3A_1024 {strides = array<i32>} : memref<1x64x32x224xf32, #tpu.memory_space<vmem>>, vector<1x1x32x224xf32>,
    %get3A_1025 = arith.constant 0 : index
    %get3A_1026 = arith.constant 180 : index
    %get3A_1027 = arith.constant 0 : index
    %get3A_1028 = vector.load %arg5[%get3A_1025, %get3A_1026, %get3A_1027] : memref<32x224x224xf32, #tpu.memory_space<vmem>>, vector<32x1x224xf32>
    %get3A_1029 = vector.shape_cast %get3A_1028 : vector<32x1x224xf32> to vector<32x224xf32>
    %swap3A_1030 = arith.constant 0 : index
    %swap3A_1031 = arith.constant 51 : index
    %swap3A_1032 = arith.constant 0 : index
    %swap3A_1033 = arith.constant 0 : index
    %swap3A_1034 = vector.load %arg3[%swap3A_1030, %swap3A_1031, %swap3A_1032, %swap3A_1033] : memref<1x64x32x224xf32, #tpu.memory_space<vmem>>, vector<1x1x32x224xf32>
    %swap3A_1035 = vector.shape_cast %swap3A_1034 : vector<1x1x32x224xf32> to vector<32x224xf32>
    %swap3A_1036 = vector.shape_cast %get3A_1029 : vector<32x224xf32> to vector<1x1x32x224xf32>
    tpu.vector_store %arg3[%swap3A_1030, %swap3A_1031, %swap3A_1032, %swap3A_1033], %swap3A_1036 {strides = array<i32>} : memref<1x64x32x224xf32, #tpu.memory_space<vmem>>, vector<1x1x32x224xf32>,
    %get3A_1037 = arith.constant 0 : index
    %get3A_1038 = arith.constant 184 : index
    %get3A_1039 = arith.constant 0 : index
    %get3A_1040 = vector.load %arg5[%get3A_1037, %get3A_1038, %get3A_1039] : memref<32x224x224xf32, #tpu.memory_space<vmem>>, vector<32x1x224xf32>
    %get3A_1041 = vector.shape_cast %get3A_1040 : vector<32x1x224xf32> to vector<32x224xf32>
    %swap3A_1042 = arith.constant 0 : index
    %swap3A_1043 = arith.constant 52 : index
    %swap3A_1044 = arith.constant 0 : index
    %swap3A_1045 = arith.constant 0 : index
    %swap3A_1046 = vector.load %arg3[%swap3A_1042, %swap3A_1043, %swap3A_1044, %swap3A_1045] : memref<1x64x32x224xf32, #tpu.memory_space<vmem>>, vector<1x1x32x224xf32>
    %swap3A_1047 = vector.shape_cast %swap3A_1046 : vector<1x1x32x224xf32> to vector<32x224xf32>
    %swap3A_1048 = vector.shape_cast %get3A_1041 : vector<32x224xf32> to vector<1x1x32x224xf32>
    tpu.vector_store %arg3[%swap3A_1042, %swap3A_1043, %swap3A_1044, %swap3A_1045], %swap3A_1048 {strides = array<i32>} : memref<1x64x32x224xf32, #tpu.memory_space<vmem>>, vector<1x1x32x224xf32>,
    %get3A_1049 = arith.constant 0 : index
    %get3A_1050 = arith.constant 187 : index
    %get3A_1051 = arith.constant 0 : index
    %get3A_1052 = vector.load %arg5[%get3A_1049, %get3A_1050, %get3A_1051] : memref<32x224x224xf32, #tpu.memory_space<vmem>>, vector<32x1x224xf32>
    %get3A_1053 = vector.shape_cast %get3A_1052 : vector<32x1x224xf32> to vector<32x224xf32>
    %swap3A_1054 = arith.constant 0 : index
    %swap3A_1055 = arith.constant 53 : index
    %swap3A_1056 = arith.constant 0 : index
    %swap3A_1057 = arith.constant 0 : index
    %swap3A_1058 = vector.load %arg3[%swap3A_1054, %swap3A_1055, %swap3A_1056, %swap3A_1057] : memref<1x64x32x224xf32, #tpu.memory_space<vmem>>, vector<1x1x32x224xf32>
    %swap3A_1059 = vector.shape_cast %swap3A_1058 : vector<1x1x32x224xf32> to vector<32x224xf32>
    %swap3A_1060 = vector.shape_cast %get3A_1053 : vector<32x224xf32> to vector<1x1x32x224xf32>
    tpu.vector_store %arg3[%swap3A_1054, %swap3A_1055, %swap3A_1056, %swap3A_1057], %swap3A_1060 {strides = array<i32>} : memref<1x64x32x224xf32, #tpu.memory_space<vmem>>, vector<1x1x32x224xf32>,
    %get3A_1061 = arith.constant 0 : index
    %get3A_1062 = arith.constant 191 : index
    %get3A_1063 = arith.constant 0 : index
    %get3A_1064 = vector.load %arg5[%get3A_1061, %get3A_1062, %get3A_1063] : memref<32x224x224xf32, #tpu.memory_space<vmem>>, vector<32x1x224xf32>
    %get3A_1065 = vector.shape_cast %get3A_1064 : vector<32x1x224xf32> to vector<32x224xf32>
    %swap3A_1066 = arith.constant 0 : index
    %swap3A_1067 = arith.constant 54 : index
    %swap3A_1068 = arith.constant 0 : index
    %swap3A_1069 = arith.constant 0 : index
    %swap3A_1070 = vector.load %arg3[%swap3A_1066, %swap3A_1067, %swap3A_1068, %swap3A_1069] : memref<1x64x32x224xf32, #tpu.memory_space<vmem>>, vector<1x1x32x224xf32>
    %swap3A_1071 = vector.shape_cast %swap3A_1070 : vector<1x1x32x224xf32> to vector<32x224xf32>
    %swap3A_1072 = vector.shape_cast %get3A_1065 : vector<32x224xf32> to vector<1x1x32x224xf32>
    tpu.vector_store %arg3[%swap3A_1066, %swap3A_1067, %swap3A_1068, %swap3A_1069], %swap3A_1072 {strides = array<i32>} : memref<1x64x32x224xf32, #tpu.memory_space<vmem>>, vector<1x1x32x224xf32>,
    %get3A_1073 = arith.constant 0 : index
    %get3A_1074 = arith.constant 194 : index
    %get3A_1075 = arith.constant 0 : index
    %get3A_1076 = vector.load %arg5[%get3A_1073, %get3A_1074, %get3A_1075] : memref<32x224x224xf32, #tpu.memory_space<vmem>>, vector<32x1x224xf32>
    %get3A_1077 = vector.shape_cast %get3A_1076 : vector<32x1x224xf32> to vector<32x224xf32>
    %swap3A_1078 = arith.constant 0 : index
    %swap3A_1079 = arith.constant 55 : index
    %swap3A_1080 = arith.constant 0 : index
    %swap3A_1081 = arith.constant 0 : index
    %swap3A_1082 = vector.load %arg3[%swap3A_1078, %swap3A_1079, %swap3A_1080, %swap3A_1081] : memref<1x64x32x224xf32, #tpu.memory_space<vmem>>, vector<1x1x32x224xf32>
    %swap3A_1083 = vector.shape_cast %swap3A_1082 : vector<1x1x32x224xf32> to vector<32x224xf32>
    %swap3A_1084 = vector.shape_cast %get3A_1077 : vector<32x224xf32> to vector<1x1x32x224xf32>
    tpu.vector_store %arg3[%swap3A_1078, %swap3A_1079, %swap3A_1080, %swap3A_1081], %swap3A_1084 {strides = array<i32>} : memref<1x64x32x224xf32, #tpu.memory_space<vmem>>, vector<1x1x32x224xf32>,
    %get3A_1085 = arith.constant 0 : index
    %get3A_1086 = arith.constant 198 : index
    %get3A_1087 = arith.constant 0 : index
    %get3A_1088 = vector.load %arg5[%get3A_1085, %get3A_1086, %get3A_1087] : memref<32x224x224xf32, #tpu.memory_space<vmem>>, vector<32x1x224xf32>
    %get3A_1089 = vector.shape_cast %get3A_1088 : vector<32x1x224xf32> to vector<32x224xf32>
    %swap3A_1090 = arith.constant 0 : index
    %swap3A_1091 = arith.constant 56 : index
    %swap3A_1092 = arith.constant 0 : index
    %swap3A_1093 = arith.constant 0 : index
    %swap3A_1094 = vector.load %arg3[%swap3A_1090, %swap3A_1091, %swap3A_1092, %swap3A_1093] : memref<1x64x32x224xf32, #tpu.memory_space<vmem>>, vector<1x1x32x224xf32>
    %swap3A_1095 = vector.shape_cast %swap3A_1094 : vector<1x1x32x224xf32> to vector<32x224xf32>
    %swap3A_1096 = vector.shape_cast %get3A_1089 : vector<32x224xf32> to vector<1x1x32x224xf32>
    tpu.vector_store %arg3[%swap3A_1090, %swap3A_1091, %swap3A_1092, %swap3A_1093], %swap3A_1096 {strides = array<i32>} : memref<1x64x32x224xf32, #tpu.memory_space<vmem>>, vector<1x1x32x224xf32>,
    %get3A_1097 = arith.constant 0 : index
    %get3A_1098 = arith.constant 201 : index
    %get3A_1099 = arith.constant 0 : index
    %get3A_1100 = vector.load %arg5[%get3A_1097, %get3A_1098, %get3A_1099] : memref<32x224x224xf32, #tpu.memory_space<vmem>>, vector<32x1x224xf32>
    %get3A_1101 = vector.shape_cast %get3A_1100 : vector<32x1x224xf32> to vector<32x224xf32>
    %swap3A_1102 = arith.constant 0 : index
    %swap3A_1103 = arith.constant 57 : index
    %swap3A_1104 = arith.constant 0 : index
    %swap3A_1105 = arith.constant 0 : index
    %swap3A_1106 = vector.load %arg3[%swap3A_1102, %swap3A_1103, %swap3A_1104, %swap3A_1105] : memref<1x64x32x224xf32, #tpu.memory_space<vmem>>, vector<1x1x32x224xf32>
    %swap3A_1107 = vector.shape_cast %swap3A_1106 : vector<1x1x32x224xf32> to vector<32x224xf32>
    %swap3A_1108 = vector.shape_cast %get3A_1101 : vector<32x224xf32> to vector<1x1x32x224xf32>
    tpu.vector_store %arg3[%swap3A_1102, %swap3A_1103, %swap3A_1104, %swap3A_1105], %swap3A_1108 {strides = array<i32>} : memref<1x64x32x224xf32, #tpu.memory_space<vmem>>, vector<1x1x32x224xf32>,
    %get3A_1109 = arith.constant 0 : index
    %get3A_1110 = arith.constant 205 : index
    %get3A_1111 = arith.constant 0 : index
    %get3A_1112 = vector.load %arg5[%get3A_1109, %get3A_1110, %get3A_1111] : memref<32x224x224xf32, #tpu.memory_space<vmem>>, vector<32x1x224xf32>
    %get3A_1113 = vector.shape_cast %get3A_1112 : vector<32x1x224xf32> to vector<32x224xf32>
    %swap3A_1114 = arith.constant 0 : index
    %swap3A_1115 = arith.constant 58 : index
    %swap3A_1116 = arith.constant 0 : index
    %swap3A_1117 = arith.constant 0 : index
    %swap3A_1118 = vector.load %arg3[%swap3A_1114, %swap3A_1115, %swap3A_1116, %swap3A_1117] : memref<1x64x32x224xf32, #tpu.memory_space<vmem>>, vector<1x1x32x224xf32>
    %swap3A_1119 = vector.shape_cast %swap3A_1118 : vector<1x1x32x224xf32> to vector<32x224xf32>
    %swap3A_1120 = vector.shape_cast %get3A_1113 : vector<32x224xf32> to vector<1x1x32x224xf32>
    tpu.vector_store %arg3[%swap3A_1114, %swap3A_1115, %swap3A_1116, %swap3A_1117], %swap3A_1120 {strides = array<i32>} : memref<1x64x32x224xf32, #tpu.memory_space<vmem>>, vector<1x1x32x224xf32>,
    %get3A_1121 = arith.constant 0 : index
    %get3A_1122 = arith.constant 208 : index
    %get3A_1123 = arith.constant 0 : index
    %get3A_1124 = vector.load %arg5[%get3A_1121, %get3A_1122, %get3A_1123] : memref<32x224x224xf32, #tpu.memory_space<vmem>>, vector<32x1x224xf32>
    %get3A_1125 = vector.shape_cast %get3A_1124 : vector<32x1x224xf32> to vector<32x224xf32>
    %swap3A_1126 = arith.constant 0 : index
    %swap3A_1127 = arith.constant 59 : index
    %swap3A_1128 = arith.constant 0 : index
    %swap3A_1129 = arith.constant 0 : index
    %swap3A_1130 = vector.load %arg3[%swap3A_1126, %swap3A_1127, %swap3A_1128, %swap3A_1129] : memref<1x64x32x224xf32, #tpu.memory_space<vmem>>, vector<1x1x32x224xf32>
    %swap3A_1131 = vector.shape_cast %swap3A_1130 : vector<1x1x32x224xf32> to vector<32x224xf32>
    %swap3A_1132 = vector.shape_cast %get3A_1125 : vector<32x224xf32> to vector<1x1x32x224xf32>
    tpu.vector_store %arg3[%swap3A_1126, %swap3A_1127, %swap3A_1128, %swap3A_1129], %swap3A_1132 {strides = array<i32>} : memref<1x64x32x224xf32, #tpu.memory_space<vmem>>, vector<1x1x32x224xf32>,
    %get3A_1133 = arith.constant 0 : index
    %get3A_1134 = arith.constant 212 : index
    %get3A_1135 = arith.constant 0 : index
    %get3A_1136 = vector.load %arg5[%get3A_1133, %get3A_1134, %get3A_1135] : memref<32x224x224xf32, #tpu.memory_space<vmem>>, vector<32x1x224xf32>
    %get3A_1137 = vector.shape_cast %get3A_1136 : vector<32x1x224xf32> to vector<32x224xf32>
    %swap3A_1138 = arith.constant 0 : index
    %swap3A_1139 = arith.constant 60 : index
    %swap3A_1140 = arith.constant 0 : index
    %swap3A_1141 = arith.constant 0 : index
    %swap3A_1142 = vector.load %arg3[%swap3A_1138, %swap3A_1139, %swap3A_1140, %swap3A_1141] : memref<1x64x32x224xf32, #tpu.memory_space<vmem>>, vector<1x1x32x224xf32>
    %swap3A_1143 = vector.shape_cast %swap3A_1142 : vector<1x1x32x224xf32> to vector<32x224xf32>
    %swap3A_1144 = vector.shape_cast %get3A_1137 : vector<32x224xf32> to vector<1x1x32x224xf32>
    tpu.vector_store %arg3[%swap3A_1138, %swap3A_1139, %swap3A_1140, %swap3A_1141], %swap3A_1144 {strides = array<i32>} : memref<1x64x32x224xf32, #tpu.memory_space<vmem>>, vector<1x1x32x224xf32>,
    %get3A_1145 = arith.constant 0 : index
    %get3A_1146 = arith.constant 215 : index
    %get3A_1147 = arith.constant 0 : index
    %get3A_1148 = vector.load %arg5[%get3A_1145, %get3A_1146, %get3A_1147] : memref<32x224x224xf32, #tpu.memory_space<vmem>>, vector<32x1x224xf32>
    %get3A_1149 = vector.shape_cast %get3A_1148 : vector<32x1x224xf32> to vector<32x224xf32>
    %swap3A_1150 = arith.constant 0 : index
    %swap3A_1151 = arith.constant 61 : index
    %swap3A_1152 = arith.constant 0 : index
    %swap3A_1153 = arith.constant 0 : index
    %swap3A_1154 = vector.load %arg3[%swap3A_1150, %swap3A_1151, %swap3A_1152, %swap3A_1153] : memref<1x64x32x224xf32, #tpu.memory_space<vmem>>, vector<1x1x32x224xf32>
    %swap3A_1155 = vector.shape_cast %swap3A_1154 : vector<1x1x32x224xf32> to vector<32x224xf32>
    %swap3A_1156 = vector.shape_cast %get3A_1149 : vector<32x224xf32> to vector<1x1x32x224xf32>
    tpu.vector_store %arg3[%swap3A_1150, %swap3A_1151, %swap3A_1152, %swap3A_1153], %swap3A_1156 {strides = array<i32>} : memref<1x64x32x224xf32, #tpu.memory_space<vmem>>, vector<1x1x32x224xf32>,
    %get3A_1157 = arith.constant 0 : index
    %get3A_1158 = arith.constant 219 : index
    %get3A_1159 = arith.constant 0 : index
    %get3A_1160 = vector.load %arg5[%get3A_1157, %get3A_1158, %get3A_1159] : memref<32x224x224xf32, #tpu.memory_space<vmem>>, vector<32x1x224xf32>
    %get3A_1161 = vector.shape_cast %get3A_1160 : vector<32x1x224xf32> to vector<32x224xf32>
    %swap3A_1162 = arith.constant 0 : index
    %swap3A_1163 = arith.constant 62 : index
    %swap3A_1164 = arith.constant 0 : index
    %swap3A_1165 = arith.constant 0 : index
    %swap3A_1166 = vector.load %arg3[%swap3A_1162, %swap3A_1163, %swap3A_1164, %swap3A_1165] : memref<1x64x32x224xf32, #tpu.memory_space<vmem>>, vector<1x1x32x224xf32>
    %swap3A_1167 = vector.shape_cast %swap3A_1166 : vector<1x1x32x224xf32> to vector<32x224xf32>
    %swap3A_1168 = vector.shape_cast %get3A_1161 : vector<32x224xf32> to vector<1x1x32x224xf32>
    tpu.vector_store %arg3[%swap3A_1162, %swap3A_1163, %swap3A_1164, %swap3A_1165], %swap3A_1168 {strides = array<i32>} : memref<1x64x32x224xf32, #tpu.memory_space<vmem>>, vector<1x1x32x224xf32>,
    %get3A_1169 = arith.constant 0 : index
    %get3A_1170 = arith.constant 223 : index
    %get3A_1171 = arith.constant 0 : index
    %get3A_1172 = vector.load %arg5[%get3A_1169, %get3A_1170, %get3A_1171] : memref<32x224x224xf32, #tpu.memory_space<vmem>>, vector<32x1x224xf32>
    %get3A_1173 = vector.shape_cast %get3A_1172 : vector<32x1x224xf32> to vector<32x224xf32>
    %swap3A_1174 = arith.constant 0 : index
    %swap3A_1175 = arith.constant 63 : index
    %swap3A_1176 = arith.constant 0 : index
    %swap3A_1177 = arith.constant 0 : index
    %swap3A_1178 = vector.load %arg3[%swap3A_1174, %swap3A_1175, %swap3A_1176, %swap3A_1177] : memref<1x64x32x224xf32, #tpu.memory_space<vmem>>, vector<1x1x32x224xf32>
    %swap3A_1179 = vector.shape_cast %swap3A_1178 : vector<1x1x32x224xf32> to vector<32x224xf32>
    %swap3A_1180 = vector.shape_cast %get3A_1173 : vector<32x224xf32> to vector<1x1x32x224xf32>
    tpu.vector_store %arg3[%swap3A_1174, %swap3A_1175, %swap3A_1176, %swap3A_1177], %swap3A_1180 {strides = array<i32>} : memref<1x64x32x224xf32, #tpu.memory_space<vmem>>, vector<1x1x32x224xf32>,
    %get3A_1181 = arith.constant 0 : index
    %get3A_1182 = arith.constant 0 : index
    %get3A_1183 = arith.constant 0 : index
    %get3A_1184 = arith.constant 0 : index
    %get3A_1185 = vector.load %arg2[%get3A_1181, %get3A_1182, %get3A_1183, %get3A_1184] : memref<1x32x224x224xf32, #tpu.memory_space<vmem>>, vector<1x32x1x224xf32>
    %get3A_1186 = vector.shape_cast %get3A_1185 : vector<1x32x1x224xf32> to vector<32x224xf32>
    %swap3A_1187 = arith.constant 0 : index
    %swap3A_1188 = arith.constant 0 : index
    %swap3A_1189 = arith.constant 0 : index
    %swap3A_1190 = arith.constant 0 : index
    %swap3A_1191 = vector.load %arg4[%swap3A_1187, %swap3A_1188, %swap3A_1189, %swap3A_1190] : memref<1x64x32x224xf32, #tpu.memory_space<vmem>>, vector<1x1x32x224xf32>
    %swap3A_1192 = vector.shape_cast %swap3A_1191 : vector<1x1x32x224xf32> to vector<32x224xf32>
    %swap3A_1193 = vector.shape_cast %get3A_1186 : vector<32x224xf32> to vector<1x1x32x224xf32>
    tpu.vector_store %arg4[%swap3A_1187, %swap3A_1188, %swap3A_1189, %swap3A_1190], %swap3A_1193 {strides = array<i32>} : memref<1x64x32x224xf32, #tpu.memory_space<vmem>>, vector<1x1x32x224xf32>,
    %get3A_1194 = arith.constant 0 : index
    %get3A_1195 = arith.constant 0 : index
    %get3A_1196 = arith.constant 3 : index
    %get3A_1197 = arith.constant 0 : index
    %get3A_1198 = vector.load %arg2[%get3A_1194, %get3A_1195, %get3A_1196, %get3A_1197] : memref<1x32x224x224xf32, #tpu.memory_space<vmem>>, vector<1x32x1x224xf32>
    %get3A_1199 = vector.shape_cast %get3A_1198 : vector<1x32x1x224xf32> to vector<32x224xf32>
    %swap3A_1200 = arith.constant 0 : index
    %swap3A_1201 = arith.constant 1 : index
    %swap3A_1202 = arith.constant 0 : index
    %swap3A_1203 = arith.constant 0 : index
    %swap3A_1204 = vector.load %arg4[%swap3A_1200, %swap3A_1201, %swap3A_1202, %swap3A_1203] : memref<1x64x32x224xf32, #tpu.memory_space<vmem>>, vector<1x1x32x224xf32>
    %swap3A_1205 = vector.shape_cast %swap3A_1204 : vector<1x1x32x224xf32> to vector<32x224xf32>
    %swap3A_1206 = vector.shape_cast %get3A_1199 : vector<32x224xf32> to vector<1x1x32x224xf32>
    tpu.vector_store %arg4[%swap3A_1200, %swap3A_1201, %swap3A_1202, %swap3A_1203], %swap3A_1206 {strides = array<i32>} : memref<1x64x32x224xf32, #tpu.memory_space<vmem>>, vector<1x1x32x224xf32>,
    %get3A_1207 = arith.constant 0 : index
    %get3A_1208 = arith.constant 0 : index
    %get3A_1209 = arith.constant 7 : index
    %get3A_1210 = arith.constant 0 : index
    %get3A_1211 = vector.load %arg2[%get3A_1207, %get3A_1208, %get3A_1209, %get3A_1210] : memref<1x32x224x224xf32, #tpu.memory_space<vmem>>, vector<1x32x1x224xf32>
    %get3A_1212 = vector.shape_cast %get3A_1211 : vector<1x32x1x224xf32> to vector<32x224xf32>
    %swap3A_1213 = arith.constant 0 : index
    %swap3A_1214 = arith.constant 2 : index
    %swap3A_1215 = arith.constant 0 : index
    %swap3A_1216 = arith.constant 0 : index
    %swap3A_1217 = vector.load %arg4[%swap3A_1213, %swap3A_1214, %swap3A_1215, %swap3A_1216] : memref<1x64x32x224xf32, #tpu.memory_space<vmem>>, vector<1x1x32x224xf32>
    %swap3A_1218 = vector.shape_cast %swap3A_1217 : vector<1x1x32x224xf32> to vector<32x224xf32>
    %swap3A_1219 = vector.shape_cast %get3A_1212 : vector<32x224xf32> to vector<1x1x32x224xf32>
    tpu.vector_store %arg4[%swap3A_1213, %swap3A_1214, %swap3A_1215, %swap3A_1216], %swap3A_1219 {strides = array<i32>} : memref<1x64x32x224xf32, #tpu.memory_space<vmem>>, vector<1x1x32x224xf32>,
    %get3A_1220 = arith.constant 0 : index
    %get3A_1221 = arith.constant 0 : index
    %get3A_1222 = arith.constant 10 : index
    %get3A_1223 = arith.constant 0 : index
    %get3A_1224 = vector.load %arg2[%get3A_1220, %get3A_1221, %get3A_1222, %get3A_1223] : memref<1x32x224x224xf32, #tpu.memory_space<vmem>>, vector<1x32x1x224xf32>
    %get3A_1225 = vector.shape_cast %get3A_1224 : vector<1x32x1x224xf32> to vector<32x224xf32>
    %swap3A_1226 = arith.constant 0 : index
    %swap3A_1227 = arith.constant 3 : index
    %swap3A_1228 = arith.constant 0 : index
    %swap3A_1229 = arith.constant 0 : index
    %swap3A_1230 = vector.load %arg4[%swap3A_1226, %swap3A_1227, %swap3A_1228, %swap3A_1229] : memref<1x64x32x224xf32, #tpu.memory_space<vmem>>, vector<1x1x32x224xf32>
    %swap3A_1231 = vector.shape_cast %swap3A_1230 : vector<1x1x32x224xf32> to vector<32x224xf32>
    %swap3A_1232 = vector.shape_cast %get3A_1225 : vector<32x224xf32> to vector<1x1x32x224xf32>
    tpu.vector_store %arg4[%swap3A_1226, %swap3A_1227, %swap3A_1228, %swap3A_1229], %swap3A_1232 {strides = array<i32>} : memref<1x64x32x224xf32, #tpu.memory_space<vmem>>, vector<1x1x32x224xf32>,
    %get3A_1233 = arith.constant 0 : index
    %get3A_1234 = arith.constant 0 : index
    %get3A_1235 = arith.constant 14 : index
    %get3A_1236 = arith.constant 0 : index
    %get3A_1237 = vector.load %arg2[%get3A_1233, %get3A_1234, %get3A_1235, %get3A_1236] : memref<1x32x224x224xf32, #tpu.memory_space<vmem>>, vector<1x32x1x224xf32>
    %get3A_1238 = vector.shape_cast %get3A_1237 : vector<1x32x1x224xf32> to vector<32x224xf32>
    %swap3A_1239 = arith.constant 0 : index
    %swap3A_1240 = arith.constant 4 : index
    %swap3A_1241 = arith.constant 0 : index
    %swap3A_1242 = arith.constant 0 : index
    %swap3A_1243 = vector.load %arg4[%swap3A_1239, %swap3A_1240, %swap3A_1241, %swap3A_1242] : memref<1x64x32x224xf32, #tpu.memory_space<vmem>>, vector<1x1x32x224xf32>
    %swap3A_1244 = vector.shape_cast %swap3A_1243 : vector<1x1x32x224xf32> to vector<32x224xf32>
    %swap3A_1245 = vector.shape_cast %get3A_1238 : vector<32x224xf32> to vector<1x1x32x224xf32>
    tpu.vector_store %arg4[%swap3A_1239, %swap3A_1240, %swap3A_1241, %swap3A_1242], %swap3A_1245 {strides = array<i32>} : memref<1x64x32x224xf32, #tpu.memory_space<vmem>>, vector<1x1x32x224xf32>,
    %get3A_1246 = arith.constant 0 : index
    %get3A_1247 = arith.constant 0 : index
    %get3A_1248 = arith.constant 17 : index
    %get3A_1249 = arith.constant 0 : index
    %get3A_1250 = vector.load %arg2[%get3A_1246, %get3A_1247, %get3A_1248, %get3A_1249] : memref<1x32x224x224xf32, #tpu.memory_space<vmem>>, vector<1x32x1x224xf32>
    %get3A_1251 = vector.shape_cast %get3A_1250 : vector<1x32x1x224xf32> to vector<32x224xf32>
    %swap3A_1252 = arith.constant 0 : index
    %swap3A_1253 = arith.constant 5 : index
    %swap3A_1254 = arith.constant 0 : index
    %swap3A_1255 = arith.constant 0 : index
    %swap3A_1256 = vector.load %arg4[%swap3A_1252, %swap3A_1253, %swap3A_1254, %swap3A_1255] : memref<1x64x32x224xf32, #tpu.memory_space<vmem>>, vector<1x1x32x224xf32>
    %swap3A_1257 = vector.shape_cast %swap3A_1256 : vector<1x1x32x224xf32> to vector<32x224xf32>
    %swap3A_1258 = vector.shape_cast %get3A_1251 : vector<32x224xf32> to vector<1x1x32x224xf32>
    tpu.vector_store %arg4[%swap3A_1252, %swap3A_1253, %swap3A_1254, %swap3A_1255], %swap3A_1258 {strides = array<i32>} : memref<1x64x32x224xf32, #tpu.memory_space<vmem>>, vector<1x1x32x224xf32>,
    %get3A_1259 = arith.constant 0 : index
    %get3A_1260 = arith.constant 0 : index
    %get3A_1261 = arith.constant 21 : index
    %get3A_1262 = arith.constant 0 : index
    %get3A_1263 = vector.load %arg2[%get3A_1259, %get3A_1260, %get3A_1261, %get3A_1262] : memref<1x32x224x224xf32, #tpu.memory_space<vmem>>, vector<1x32x1x224xf32>
    %get3A_1264 = vector.shape_cast %get3A_1263 : vector<1x32x1x224xf32> to vector<32x224xf32>
    %swap3A_1265 = arith.constant 0 : index
    %swap3A_1266 = arith.constant 6 : index
    %swap3A_1267 = arith.constant 0 : index
    %swap3A_1268 = arith.constant 0 : index
    %swap3A_1269 = vector.load %arg4[%swap3A_1265, %swap3A_1266, %swap3A_1267, %swap3A_1268] : memref<1x64x32x224xf32, #tpu.memory_space<vmem>>, vector<1x1x32x224xf32>
    %swap3A_1270 = vector.shape_cast %swap3A_1269 : vector<1x1x32x224xf32> to vector<32x224xf32>
    %swap3A_1271 = vector.shape_cast %get3A_1264 : vector<32x224xf32> to vector<1x1x32x224xf32>
    tpu.vector_store %arg4[%swap3A_1265, %swap3A_1266, %swap3A_1267, %swap3A_1268], %swap3A_1271 {strides = array<i32>} : memref<1x64x32x224xf32, #tpu.memory_space<vmem>>, vector<1x1x32x224xf32>,
    %get3A_1272 = arith.constant 0 : index
    %get3A_1273 = arith.constant 0 : index
    %get3A_1274 = arith.constant 24 : index
    %get3A_1275 = arith.constant 0 : index
    %get3A_1276 = vector.load %arg2[%get3A_1272, %get3A_1273, %get3A_1274, %get3A_1275] : memref<1x32x224x224xf32, #tpu.memory_space<vmem>>, vector<1x32x1x224xf32>
    %get3A_1277 = vector.shape_cast %get3A_1276 : vector<1x32x1x224xf32> to vector<32x224xf32>
    %swap3A_1278 = arith.constant 0 : index
    %swap3A_1279 = arith.constant 7 : index
    %swap3A_1280 = arith.constant 0 : index
    %swap3A_1281 = arith.constant 0 : index
    %swap3A_1282 = vector.load %arg4[%swap3A_1278, %swap3A_1279, %swap3A_1280, %swap3A_1281] : memref<1x64x32x224xf32, #tpu.memory_space<vmem>>, vector<1x1x32x224xf32>
    %swap3A_1283 = vector.shape_cast %swap3A_1282 : vector<1x1x32x224xf32> to vector<32x224xf32>
    %swap3A_1284 = vector.shape_cast %get3A_1277 : vector<32x224xf32> to vector<1x1x32x224xf32>
    tpu.vector_store %arg4[%swap3A_1278, %swap3A_1279, %swap3A_1280, %swap3A_1281], %swap3A_1284 {strides = array<i32>} : memref<1x64x32x224xf32, #tpu.memory_space<vmem>>, vector<1x1x32x224xf32>,
    %get3A_1285 = arith.constant 0 : index
    %get3A_1286 = arith.constant 0 : index
    %get3A_1287 = arith.constant 28 : index
    %get3A_1288 = arith.constant 0 : index
    %get3A_1289 = vector.load %arg2[%get3A_1285, %get3A_1286, %get3A_1287, %get3A_1288] : memref<1x32x224x224xf32, #tpu.memory_space<vmem>>, vector<1x32x1x224xf32>
    %get3A_1290 = vector.shape_cast %get3A_1289 : vector<1x32x1x224xf32> to vector<32x224xf32>
    %swap3A_1291 = arith.constant 0 : index
    %swap3A_1292 = arith.constant 8 : index
    %swap3A_1293 = arith.constant 0 : index
    %swap3A_1294 = arith.constant 0 : index
    %swap3A_1295 = vector.load %arg4[%swap3A_1291, %swap3A_1292, %swap3A_1293, %swap3A_1294] : memref<1x64x32x224xf32, #tpu.memory_space<vmem>>, vector<1x1x32x224xf32>
    %swap3A_1296 = vector.shape_cast %swap3A_1295 : vector<1x1x32x224xf32> to vector<32x224xf32>
    %swap3A_1297 = vector.shape_cast %get3A_1290 : vector<32x224xf32> to vector<1x1x32x224xf32>
    tpu.vector_store %arg4[%swap3A_1291, %swap3A_1292, %swap3A_1293, %swap3A_1294], %swap3A_1297 {strides = array<i32>} : memref<1x64x32x224xf32, #tpu.memory_space<vmem>>, vector<1x1x32x224xf32>,
    %get3A_1298 = arith.constant 0 : index
    %get3A_1299 = arith.constant 0 : index
    %get3A_1300 = arith.constant 31 : index
    %get3A_1301 = arith.constant 0 : index
    %get3A_1302 = vector.load %arg2[%get3A_1298, %get3A_1299, %get3A_1300, %get3A_1301] : memref<1x32x224x224xf32, #tpu.memory_space<vmem>>, vector<1x32x1x224xf32>
    %get3A_1303 = vector.shape_cast %get3A_1302 : vector<1x32x1x224xf32> to vector<32x224xf32>
    %swap3A_1304 = arith.constant 0 : index
    %swap3A_1305 = arith.constant 9 : index
    %swap3A_1306 = arith.constant 0 : index
    %swap3A_1307 = arith.constant 0 : index
    %swap3A_1308 = vector.load %arg4[%swap3A_1304, %swap3A_1305, %swap3A_1306, %swap3A_1307] : memref<1x64x32x224xf32, #tpu.memory_space<vmem>>, vector<1x1x32x224xf32>
    %swap3A_1309 = vector.shape_cast %swap3A_1308 : vector<1x1x32x224xf32> to vector<32x224xf32>
    %swap3A_1310 = vector.shape_cast %get3A_1303 : vector<32x224xf32> to vector<1x1x32x224xf32>
    tpu.vector_store %arg4[%swap3A_1304, %swap3A_1305, %swap3A_1306, %swap3A_1307], %swap3A_1310 {strides = array<i32>} : memref<1x64x32x224xf32, #tpu.memory_space<vmem>>, vector<1x1x32x224xf32>,
    %get3A_1311 = arith.constant 0 : index
    %get3A_1312 = arith.constant 0 : index
    %get3A_1313 = arith.constant 35 : index
    %get3A_1314 = arith.constant 0 : index
    %get3A_1315 = vector.load %arg2[%get3A_1311, %get3A_1312, %get3A_1313, %get3A_1314] : memref<1x32x224x224xf32, #tpu.memory_space<vmem>>, vector<1x32x1x224xf32>
    %get3A_1316 = vector.shape_cast %get3A_1315 : vector<1x32x1x224xf32> to vector<32x224xf32>
    %swap3A_1317 = arith.constant 0 : index
    %swap3A_1318 = arith.constant 10 : index
    %swap3A_1319 = arith.constant 0 : index
    %swap3A_1320 = arith.constant 0 : index
    %swap3A_1321 = vector.load %arg4[%swap3A_1317, %swap3A_1318, %swap3A_1319, %swap3A_1320] : memref<1x64x32x224xf32, #tpu.memory_space<vmem>>, vector<1x1x32x224xf32>
    %swap3A_1322 = vector.shape_cast %swap3A_1321 : vector<1x1x32x224xf32> to vector<32x224xf32>
    %swap3A_1323 = vector.shape_cast %get3A_1316 : vector<32x224xf32> to vector<1x1x32x224xf32>
    tpu.vector_store %arg4[%swap3A_1317, %swap3A_1318, %swap3A_1319, %swap3A_1320], %swap3A_1323 {strides = array<i32>} : memref<1x64x32x224xf32, #tpu.memory_space<vmem>>, vector<1x1x32x224xf32>,
    %get3A_1324 = arith.constant 0 : index
    %get3A_1325 = arith.constant 0 : index
    %get3A_1326 = arith.constant 38 : index
    %get3A_1327 = arith.constant 0 : index
    %get3A_1328 = vector.load %arg2[%get3A_1324, %get3A_1325, %get3A_1326, %get3A_1327] : memref<1x32x224x224xf32, #tpu.memory_space<vmem>>, vector<1x32x1x224xf32>
    %get3A_1329 = vector.shape_cast %get3A_1328 : vector<1x32x1x224xf32> to vector<32x224xf32>
    %swap3A_1330 = arith.constant 0 : index
    %swap3A_1331 = arith.constant 11 : index
    %swap3A_1332 = arith.constant 0 : index
    %swap3A_1333 = arith.constant 0 : index
    %swap3A_1334 = vector.load %arg4[%swap3A_1330, %swap3A_1331, %swap3A_1332, %swap3A_1333] : memref<1x64x32x224xf32, #tpu.memory_space<vmem>>, vector<1x1x32x224xf32>
    %swap3A_1335 = vector.shape_cast %swap3A_1334 : vector<1x1x32x224xf32> to vector<32x224xf32>
    %swap3A_1336 = vector.shape_cast %get3A_1329 : vector<32x224xf32> to vector<1x1x32x224xf32>
    tpu.vector_store %arg4[%swap3A_1330, %swap3A_1331, %swap3A_1332, %swap3A_1333], %swap3A_1336 {strides = array<i32>} : memref<1x64x32x224xf32, #tpu.memory_space<vmem>>, vector<1x1x32x224xf32>,
    %get3A_1337 = arith.constant 0 : index
    %get3A_1338 = arith.constant 0 : index
    %get3A_1339 = arith.constant 42 : index
    %get3A_1340 = arith.constant 0 : index
    %get3A_1341 = vector.load %arg2[%get3A_1337, %get3A_1338, %get3A_1339, %get3A_1340] : memref<1x32x224x224xf32, #tpu.memory_space<vmem>>, vector<1x32x1x224xf32>
    %get3A_1342 = vector.shape_cast %get3A_1341 : vector<1x32x1x224xf32> to vector<32x224xf32>
    %swap3A_1343 = arith.constant 0 : index
    %swap3A_1344 = arith.constant 12 : index
    %swap3A_1345 = arith.constant 0 : index
    %swap3A_1346 = arith.constant 0 : index
    %swap3A_1347 = vector.load %arg4[%swap3A_1343, %swap3A_1344, %swap3A_1345, %swap3A_1346] : memref<1x64x32x224xf32, #tpu.memory_space<vmem>>, vector<1x1x32x224xf32>
    %swap3A_1348 = vector.shape_cast %swap3A_1347 : vector<1x1x32x224xf32> to vector<32x224xf32>
    %swap3A_1349 = vector.shape_cast %get3A_1342 : vector<32x224xf32> to vector<1x1x32x224xf32>
    tpu.vector_store %arg4[%swap3A_1343, %swap3A_1344, %swap3A_1345, %swap3A_1346], %swap3A_1349 {strides = array<i32>} : memref<1x64x32x224xf32, #tpu.memory_space<vmem>>, vector<1x1x32x224xf32>,
    %get3A_1350 = arith.constant 0 : index
    %get3A_1351 = arith.constant 0 : index
    %get3A_1352 = arith.constant 46 : index
    %get3A_1353 = arith.constant 0 : index
    %get3A_1354 = vector.load %arg2[%get3A_1350, %get3A_1351, %get3A_1352, %get3A_1353] : memref<1x32x224x224xf32, #tpu.memory_space<vmem>>, vector<1x32x1x224xf32>
    %get3A_1355 = vector.shape_cast %get3A_1354 : vector<1x32x1x224xf32> to vector<32x224xf32>
    %swap3A_1356 = arith.constant 0 : index
    %swap3A_1357 = arith.constant 13 : index
    %swap3A_1358 = arith.constant 0 : index
    %swap3A_1359 = arith.constant 0 : index
    %swap3A_1360 = vector.load %arg4[%swap3A_1356, %swap3A_1357, %swap3A_1358, %swap3A_1359] : memref<1x64x32x224xf32, #tpu.memory_space<vmem>>, vector<1x1x32x224xf32>
    %swap3A_1361 = vector.shape_cast %swap3A_1360 : vector<1x1x32x224xf32> to vector<32x224xf32>
    %swap3A_1362 = vector.shape_cast %get3A_1355 : vector<32x224xf32> to vector<1x1x32x224xf32>
    tpu.vector_store %arg4[%swap3A_1356, %swap3A_1357, %swap3A_1358, %swap3A_1359], %swap3A_1362 {strides = array<i32>} : memref<1x64x32x224xf32, #tpu.memory_space<vmem>>, vector<1x1x32x224xf32>,
    %get3A_1363 = arith.constant 0 : index
    %get3A_1364 = arith.constant 0 : index
    %get3A_1365 = arith.constant 49 : index
    %get3A_1366 = arith.constant 0 : index
    %get3A_1367 = vector.load %arg2[%get3A_1363, %get3A_1364, %get3A_1365, %get3A_1366] : memref<1x32x224x224xf32, #tpu.memory_space<vmem>>, vector<1x32x1x224xf32>
    %get3A_1368 = vector.shape_cast %get3A_1367 : vector<1x32x1x224xf32> to vector<32x224xf32>
    %swap3A_1369 = arith.constant 0 : index
    %swap3A_1370 = arith.constant 14 : index
    %swap3A_1371 = arith.constant 0 : index
    %swap3A_1372 = arith.constant 0 : index
    %swap3A_1373 = vector.load %arg4[%swap3A_1369, %swap3A_1370, %swap3A_1371, %swap3A_1372] : memref<1x64x32x224xf32, #tpu.memory_space<vmem>>, vector<1x1x32x224xf32>
    %swap3A_1374 = vector.shape_cast %swap3A_1373 : vector<1x1x32x224xf32> to vector<32x224xf32>
    %swap3A_1375 = vector.shape_cast %get3A_1368 : vector<32x224xf32> to vector<1x1x32x224xf32>
    tpu.vector_store %arg4[%swap3A_1369, %swap3A_1370, %swap3A_1371, %swap3A_1372], %swap3A_1375 {strides = array<i32>} : memref<1x64x32x224xf32, #tpu.memory_space<vmem>>, vector<1x1x32x224xf32>,
    %get3A_1376 = arith.constant 0 : index
    %get3A_1377 = arith.constant 0 : index
    %get3A_1378 = arith.constant 53 : index
    %get3A_1379 = arith.constant 0 : index
    %get3A_1380 = vector.load %arg2[%get3A_1376, %get3A_1377, %get3A_1378, %get3A_1379] : memref<1x32x224x224xf32, #tpu.memory_space<vmem>>, vector<1x32x1x224xf32>
    %get3A_1381 = vector.shape_cast %get3A_1380 : vector<1x32x1x224xf32> to vector<32x224xf32>
    %swap3A_1382 = arith.constant 0 : index
    %swap3A_1383 = arith.constant 15 : index
    %swap3A_1384 = arith.constant 0 : index
    %swap3A_1385 = arith.constant 0 : index
    %swap3A_1386 = vector.load %arg4[%swap3A_1382, %swap3A_1383, %swap3A_1384, %swap3A_1385] : memref<1x64x32x224xf32, #tpu.memory_space<vmem>>, vector<1x1x32x224xf32>
    %swap3A_1387 = vector.shape_cast %swap3A_1386 : vector<1x1x32x224xf32> to vector<32x224xf32>
    %swap3A_1388 = vector.shape_cast %get3A_1381 : vector<32x224xf32> to vector<1x1x32x224xf32>
    tpu.vector_store %arg4[%swap3A_1382, %swap3A_1383, %swap3A_1384, %swap3A_1385], %swap3A_1388 {strides = array<i32>} : memref<1x64x32x224xf32, #tpu.memory_space<vmem>>, vector<1x1x32x224xf32>,
    %get3A_1389 = arith.constant 0 : index
    %get3A_1390 = arith.constant 0 : index
    %get3A_1391 = arith.constant 56 : index
    %get3A_1392 = arith.constant 0 : index
    %get3A_1393 = vector.load %arg2[%get3A_1389, %get3A_1390, %get3A_1391, %get3A_1392] : memref<1x32x224x224xf32, #tpu.memory_space<vmem>>, vector<1x32x1x224xf32>
    %get3A_1394 = vector.shape_cast %get3A_1393 : vector<1x32x1x224xf32> to vector<32x224xf32>
    %swap3A_1395 = arith.constant 0 : index
    %swap3A_1396 = arith.constant 16 : index
    %swap3A_1397 = arith.constant 0 : index
    %swap3A_1398 = arith.constant 0 : index
    %swap3A_1399 = vector.load %arg4[%swap3A_1395, %swap3A_1396, %swap3A_1397, %swap3A_1398] : memref<1x64x32x224xf32, #tpu.memory_space<vmem>>, vector<1x1x32x224xf32>
    %swap3A_1400 = vector.shape_cast %swap3A_1399 : vector<1x1x32x224xf32> to vector<32x224xf32>
    %swap3A_1401 = vector.shape_cast %get3A_1394 : vector<32x224xf32> to vector<1x1x32x224xf32>
    tpu.vector_store %arg4[%swap3A_1395, %swap3A_1396, %swap3A_1397, %swap3A_1398], %swap3A_1401 {strides = array<i32>} : memref<1x64x32x224xf32, #tpu.memory_space<vmem>>, vector<1x1x32x224xf32>,
    %get3A_1402 = arith.constant 0 : index
    %get3A_1403 = arith.constant 0 : index
    %get3A_1404 = arith.constant 60 : index
    %get3A_1405 = arith.constant 0 : index
    %get3A_1406 = vector.load %arg2[%get3A_1402, %get3A_1403, %get3A_1404, %get3A_1405] : memref<1x32x224x224xf32, #tpu.memory_space<vmem>>, vector<1x32x1x224xf32>
    %get3A_1407 = vector.shape_cast %get3A_1406 : vector<1x32x1x224xf32> to vector<32x224xf32>
    %swap3A_1408 = arith.constant 0 : index
    %swap3A_1409 = arith.constant 17 : index
    %swap3A_1410 = arith.constant 0 : index
    %swap3A_1411 = arith.constant 0 : index
    %swap3A_1412 = vector.load %arg4[%swap3A_1408, %swap3A_1409, %swap3A_1410, %swap3A_1411] : memref<1x64x32x224xf32, #tpu.memory_space<vmem>>, vector<1x1x32x224xf32>
    %swap3A_1413 = vector.shape_cast %swap3A_1412 : vector<1x1x32x224xf32> to vector<32x224xf32>
    %swap3A_1414 = vector.shape_cast %get3A_1407 : vector<32x224xf32> to vector<1x1x32x224xf32>
    tpu.vector_store %arg4[%swap3A_1408, %swap3A_1409, %swap3A_1410, %swap3A_1411], %swap3A_1414 {strides = array<i32>} : memref<1x64x32x224xf32, #tpu.memory_space<vmem>>, vector<1x1x32x224xf32>,
    %get3A_1415 = arith.constant 0 : index
    %get3A_1416 = arith.constant 0 : index
    %get3A_1417 = arith.constant 63 : index
    %get3A_1418 = arith.constant 0 : index
    %get3A_1419 = vector.load %arg2[%get3A_1415, %get3A_1416, %get3A_1417, %get3A_1418] : memref<1x32x224x224xf32, #tpu.memory_space<vmem>>, vector<1x32x1x224xf32>
    %get3A_1420 = vector.shape_cast %get3A_1419 : vector<1x32x1x224xf32> to vector<32x224xf32>
    %swap3A_1421 = arith.constant 0 : index
    %swap3A_1422 = arith.constant 18 : index
    %swap3A_1423 = arith.constant 0 : index
    %swap3A_1424 = arith.constant 0 : index
    %swap3A_1425 = vector.load %arg4[%swap3A_1421, %swap3A_1422, %swap3A_1423, %swap3A_1424] : memref<1x64x32x224xf32, #tpu.memory_space<vmem>>, vector<1x1x32x224xf32>
    %swap3A_1426 = vector.shape_cast %swap3A_1425 : vector<1x1x32x224xf32> to vector<32x224xf32>
    %swap3A_1427 = vector.shape_cast %get3A_1420 : vector<32x224xf32> to vector<1x1x32x224xf32>
    tpu.vector_store %arg4[%swap3A_1421, %swap3A_1422, %swap3A_1423, %swap3A_1424], %swap3A_1427 {strides = array<i32>} : memref<1x64x32x224xf32, #tpu.memory_space<vmem>>, vector<1x1x32x224xf32>,
    %get3A_1428 = arith.constant 0 : index
    %get3A_1429 = arith.constant 0 : index
    %get3A_1430 = arith.constant 67 : index
    %get3A_1431 = arith.constant 0 : index
    %get3A_1432 = vector.load %arg2[%get3A_1428, %get3A_1429, %get3A_1430, %get3A_1431] : memref<1x32x224x224xf32, #tpu.memory_space<vmem>>, vector<1x32x1x224xf32>
    %get3A_1433 = vector.shape_cast %get3A_1432 : vector<1x32x1x224xf32> to vector<32x224xf32>
    %swap3A_1434 = arith.constant 0 : index
    %swap3A_1435 = arith.constant 19 : index
    %swap3A_1436 = arith.constant 0 : index
    %swap3A_1437 = arith.constant 0 : index
    %swap3A_1438 = vector.load %arg4[%swap3A_1434, %swap3A_1435, %swap3A_1436, %swap3A_1437] : memref<1x64x32x224xf32, #tpu.memory_space<vmem>>, vector<1x1x32x224xf32>
    %swap3A_1439 = vector.shape_cast %swap3A_1438 : vector<1x1x32x224xf32> to vector<32x224xf32>
    %swap3A_1440 = vector.shape_cast %get3A_1433 : vector<32x224xf32> to vector<1x1x32x224xf32>
    tpu.vector_store %arg4[%swap3A_1434, %swap3A_1435, %swap3A_1436, %swap3A_1437], %swap3A_1440 {strides = array<i32>} : memref<1x64x32x224xf32, #tpu.memory_space<vmem>>, vector<1x1x32x224xf32>,
    %get3A_1441 = arith.constant 0 : index
    %get3A_1442 = arith.constant 0 : index
    %get3A_1443 = arith.constant 70 : index
    %get3A_1444 = arith.constant 0 : index
    %get3A_1445 = vector.load %arg2[%get3A_1441, %get3A_1442, %get3A_1443, %get3A_1444] : memref<1x32x224x224xf32, #tpu.memory_space<vmem>>, vector<1x32x1x224xf32>
    %get3A_1446 = vector.shape_cast %get3A_1445 : vector<1x32x1x224xf32> to vector<32x224xf32>
    %swap3A_1447 = arith.constant 0 : index
    %swap3A_1448 = arith.constant 20 : index
    %swap3A_1449 = arith.constant 0 : index
    %swap3A_1450 = arith.constant 0 : index
    %swap3A_1451 = vector.load %arg4[%swap3A_1447, %swap3A_1448, %swap3A_1449, %swap3A_1450] : memref<1x64x32x224xf32, #tpu.memory_space<vmem>>, vector<1x1x32x224xf32>
    %swap3A_1452 = vector.shape_cast %swap3A_1451 : vector<1x1x32x224xf32> to vector<32x224xf32>
    %swap3A_1453 = vector.shape_cast %get3A_1446 : vector<32x224xf32> to vector<1x1x32x224xf32>
    tpu.vector_store %arg4[%swap3A_1447, %swap3A_1448, %swap3A_1449, %swap3A_1450], %swap3A_1453 {strides = array<i32>} : memref<1x64x32x224xf32, #tpu.memory_space<vmem>>, vector<1x1x32x224xf32>,
    %get3A_1454 = arith.constant 0 : index
    %get3A_1455 = arith.constant 0 : index
    %get3A_1456 = arith.constant 74 : index
    %get3A_1457 = arith.constant 0 : index
    %get3A_1458 = vector.load %arg2[%get3A_1454, %get3A_1455, %get3A_1456, %get3A_1457] : memref<1x32x224x224xf32, #tpu.memory_space<vmem>>, vector<1x32x1x224xf32>
    %get3A_1459 = vector.shape_cast %get3A_1458 : vector<1x32x1x224xf32> to vector<32x224xf32>
    %swap3A_1460 = arith.constant 0 : index
    %swap3A_1461 = arith.constant 21 : index
    %swap3A_1462 = arith.constant 0 : index
    %swap3A_1463 = arith.constant 0 : index
    %swap3A_1464 = vector.load %arg4[%swap3A_1460, %swap3A_1461, %swap3A_1462, %swap3A_1463] : memref<1x64x32x224xf32, #tpu.memory_space<vmem>>, vector<1x1x32x224xf32>
    %swap3A_1465 = vector.shape_cast %swap3A_1464 : vector<1x1x32x224xf32> to vector<32x224xf32>
    %swap3A_1466 = vector.shape_cast %get3A_1459 : vector<32x224xf32> to vector<1x1x32x224xf32>
    tpu.vector_store %arg4[%swap3A_1460, %swap3A_1461, %swap3A_1462, %swap3A_1463], %swap3A_1466 {strides = array<i32>} : memref<1x64x32x224xf32, #tpu.memory_space<vmem>>, vector<1x1x32x224xf32>,
    %get3A_1467 = arith.constant 0 : index
    %get3A_1468 = arith.constant 0 : index
    %get3A_1469 = arith.constant 77 : index
    %get3A_1470 = arith.constant 0 : index
    %get3A_1471 = vector.load %arg2[%get3A_1467, %get3A_1468, %get3A_1469, %get3A_1470] : memref<1x32x224x224xf32, #tpu.memory_space<vmem>>, vector<1x32x1x224xf32>
    %get3A_1472 = vector.shape_cast %get3A_1471 : vector<1x32x1x224xf32> to vector<32x224xf32>
    %swap3A_1473 = arith.constant 0 : index
    %swap3A_1474 = arith.constant 22 : index
    %swap3A_1475 = arith.constant 0 : index
    %swap3A_1476 = arith.constant 0 : index
    %swap3A_1477 = vector.load %arg4[%swap3A_1473, %swap3A_1474, %swap3A_1475, %swap3A_1476] : memref<1x64x32x224xf32, #tpu.memory_space<vmem>>, vector<1x1x32x224xf32>
    %swap3A_1478 = vector.shape_cast %swap3A_1477 : vector<1x1x32x224xf32> to vector<32x224xf32>
    %swap3A_1479 = vector.shape_cast %get3A_1472 : vector<32x224xf32> to vector<1x1x32x224xf32>
    tpu.vector_store %arg4[%swap3A_1473, %swap3A_1474, %swap3A_1475, %swap3A_1476], %swap3A_1479 {strides = array<i32>} : memref<1x64x32x224xf32, #tpu.memory_space<vmem>>, vector<1x1x32x224xf32>,
    %get3A_1480 = arith.constant 0 : index
    %get3A_1481 = arith.constant 0 : index
    %get3A_1482 = arith.constant 81 : index
    %get3A_1483 = arith.constant 0 : index
    %get3A_1484 = vector.load %arg2[%get3A_1480, %get3A_1481, %get3A_1482, %get3A_1483] : memref<1x32x224x224xf32, #tpu.memory_space<vmem>>, vector<1x32x1x224xf32>
    %get3A_1485 = vector.shape_cast %get3A_1484 : vector<1x32x1x224xf32> to vector<32x224xf32>
    %swap3A_1486 = arith.constant 0 : index
    %swap3A_1487 = arith.constant 23 : index
    %swap3A_1488 = arith.constant 0 : index
    %swap3A_1489 = arith.constant 0 : index
    %swap3A_1490 = vector.load %arg4[%swap3A_1486, %swap3A_1487, %swap3A_1488, %swap3A_1489] : memref<1x64x32x224xf32, #tpu.memory_space<vmem>>, vector<1x1x32x224xf32>
    %swap3A_1491 = vector.shape_cast %swap3A_1490 : vector<1x1x32x224xf32> to vector<32x224xf32>
    %swap3A_1492 = vector.shape_cast %get3A_1485 : vector<32x224xf32> to vector<1x1x32x224xf32>
    tpu.vector_store %arg4[%swap3A_1486, %swap3A_1487, %swap3A_1488, %swap3A_1489], %swap3A_1492 {strides = array<i32>} : memref<1x64x32x224xf32, #tpu.memory_space<vmem>>, vector<1x1x32x224xf32>,
    %get3A_1493 = arith.constant 0 : index
    %get3A_1494 = arith.constant 0 : index
    %get3A_1495 = arith.constant 84 : index
    %get3A_1496 = arith.constant 0 : index
    %get3A_1497 = vector.load %arg2[%get3A_1493, %get3A_1494, %get3A_1495, %get3A_1496] : memref<1x32x224x224xf32, #tpu.memory_space<vmem>>, vector<1x32x1x224xf32>
    %get3A_1498 = vector.shape_cast %get3A_1497 : vector<1x32x1x224xf32> to vector<32x224xf32>
    %swap3A_1499 = arith.constant 0 : index
    %swap3A_1500 = arith.constant 24 : index
    %swap3A_1501 = arith.constant 0 : index
    %swap3A_1502 = arith.constant 0 : index
    %swap3A_1503 = vector.load %arg4[%swap3A_1499, %swap3A_1500, %swap3A_1501, %swap3A_1502] : memref<1x64x32x224xf32, #tpu.memory_space<vmem>>, vector<1x1x32x224xf32>
    %swap3A_1504 = vector.shape_cast %swap3A_1503 : vector<1x1x32x224xf32> to vector<32x224xf32>
    %swap3A_1505 = vector.shape_cast %get3A_1498 : vector<32x224xf32> to vector<1x1x32x224xf32>
    tpu.vector_store %arg4[%swap3A_1499, %swap3A_1500, %swap3A_1501, %swap3A_1502], %swap3A_1505 {strides = array<i32>} : memref<1x64x32x224xf32, #tpu.memory_space<vmem>>, vector<1x1x32x224xf32>,
    %get3A_1506 = arith.constant 0 : index
    %get3A_1507 = arith.constant 0 : index
    %get3A_1508 = arith.constant 88 : index
    %get3A_1509 = arith.constant 0 : index
    %get3A_1510 = vector.load %arg2[%get3A_1506, %get3A_1507, %get3A_1508, %get3A_1509] : memref<1x32x224x224xf32, #tpu.memory_space<vmem>>, vector<1x32x1x224xf32>
    %get3A_1511 = vector.shape_cast %get3A_1510 : vector<1x32x1x224xf32> to vector<32x224xf32>
    %swap3A_1512 = arith.constant 0 : index
    %swap3A_1513 = arith.constant 25 : index
    %swap3A_1514 = arith.constant 0 : index
    %swap3A_1515 = arith.constant 0 : index
    %swap3A_1516 = vector.load %arg4[%swap3A_1512, %swap3A_1513, %swap3A_1514, %swap3A_1515] : memref<1x64x32x224xf32, #tpu.memory_space<vmem>>, vector<1x1x32x224xf32>
    %swap3A_1517 = vector.shape_cast %swap3A_1516 : vector<1x1x32x224xf32> to vector<32x224xf32>
    %swap3A_1518 = vector.shape_cast %get3A_1511 : vector<32x224xf32> to vector<1x1x32x224xf32>
    tpu.vector_store %arg4[%swap3A_1512, %swap3A_1513, %swap3A_1514, %swap3A_1515], %swap3A_1518 {strides = array<i32>} : memref<1x64x32x224xf32, #tpu.memory_space<vmem>>, vector<1x1x32x224xf32>,
    %get3A_1519 = arith.constant 0 : index
    %get3A_1520 = arith.constant 0 : index
    %get3A_1521 = arith.constant 92 : index
    %get3A_1522 = arith.constant 0 : index
    %get3A_1523 = vector.load %arg2[%get3A_1519, %get3A_1520, %get3A_1521, %get3A_1522] : memref<1x32x224x224xf32, #tpu.memory_space<vmem>>, vector<1x32x1x224xf32>
    %get3A_1524 = vector.shape_cast %get3A_1523 : vector<1x32x1x224xf32> to vector<32x224xf32>
    %swap3A_1525 = arith.constant 0 : index
    %swap3A_1526 = arith.constant 26 : index
    %swap3A_1527 = arith.constant 0 : index
    %swap3A_1528 = arith.constant 0 : index
    %swap3A_1529 = vector.load %arg4[%swap3A_1525, %swap3A_1526, %swap3A_1527, %swap3A_1528] : memref<1x64x32x224xf32, #tpu.memory_space<vmem>>, vector<1x1x32x224xf32>
    %swap3A_1530 = vector.shape_cast %swap3A_1529 : vector<1x1x32x224xf32> to vector<32x224xf32>
    %swap3A_1531 = vector.shape_cast %get3A_1524 : vector<32x224xf32> to vector<1x1x32x224xf32>
    tpu.vector_store %arg4[%swap3A_1525, %swap3A_1526, %swap3A_1527, %swap3A_1528], %swap3A_1531 {strides = array<i32>} : memref<1x64x32x224xf32, #tpu.memory_space<vmem>>, vector<1x1x32x224xf32>,
    %get3A_1532 = arith.constant 0 : index
    %get3A_1533 = arith.constant 0 : index
    %get3A_1534 = arith.constant 95 : index
    %get3A_1535 = arith.constant 0 : index
    %get3A_1536 = vector.load %arg2[%get3A_1532, %get3A_1533, %get3A_1534, %get3A_1535] : memref<1x32x224x224xf32, #tpu.memory_space<vmem>>, vector<1x32x1x224xf32>
    %get3A_1537 = vector.shape_cast %get3A_1536 : vector<1x32x1x224xf32> to vector<32x224xf32>
    %swap3A_1538 = arith.constant 0 : index
    %swap3A_1539 = arith.constant 27 : index
    %swap3A_1540 = arith.constant 0 : index
    %swap3A_1541 = arith.constant 0 : index
    %swap3A_1542 = vector.load %arg4[%swap3A_1538, %swap3A_1539, %swap3A_1540, %swap3A_1541] : memref<1x64x32x224xf32, #tpu.memory_space<vmem>>, vector<1x1x32x224xf32>
    %swap3A_1543 = vector.shape_cast %swap3A_1542 : vector<1x1x32x224xf32> to vector<32x224xf32>
    %swap3A_1544 = vector.shape_cast %get3A_1537 : vector<32x224xf32> to vector<1x1x32x224xf32>
    tpu.vector_store %arg4[%swap3A_1538, %swap3A_1539, %swap3A_1540, %swap3A_1541], %swap3A_1544 {strides = array<i32>} : memref<1x64x32x224xf32, #tpu.memory_space<vmem>>, vector<1x1x32x224xf32>,
    %get3A_1545 = arith.constant 0 : index
    %get3A_1546 = arith.constant 0 : index
    %get3A_1547 = arith.constant 99 : index
    %get3A_1548 = arith.constant 0 : index
    %get3A_1549 = vector.load %arg2[%get3A_1545, %get3A_1546, %get3A_1547, %get3A_1548] : memref<1x32x224x224xf32, #tpu.memory_space<vmem>>, vector<1x32x1x224xf32>
    %get3A_1550 = vector.shape_cast %get3A_1549 : vector<1x32x1x224xf32> to vector<32x224xf32>
    %swap3A_1551 = arith.constant 0 : index
    %swap3A_1552 = arith.constant 28 : index
    %swap3A_1553 = arith.constant 0 : index
    %swap3A_1554 = arith.constant 0 : index
    %swap3A_1555 = vector.load %arg4[%swap3A_1551, %swap3A_1552, %swap3A_1553, %swap3A_1554] : memref<1x64x32x224xf32, #tpu.memory_space<vmem>>, vector<1x1x32x224xf32>
    %swap3A_1556 = vector.shape_cast %swap3A_1555 : vector<1x1x32x224xf32> to vector<32x224xf32>
    %swap3A_1557 = vector.shape_cast %get3A_1550 : vector<32x224xf32> to vector<1x1x32x224xf32>
    tpu.vector_store %arg4[%swap3A_1551, %swap3A_1552, %swap3A_1553, %swap3A_1554], %swap3A_1557 {strides = array<i32>} : memref<1x64x32x224xf32, #tpu.memory_space<vmem>>, vector<1x1x32x224xf32>,
    %get3A_1558 = arith.constant 0 : index
    %get3A_1559 = arith.constant 0 : index
    %get3A_1560 = arith.constant 102 : index
    %get3A_1561 = arith.constant 0 : index
    %get3A_1562 = vector.load %arg2[%get3A_1558, %get3A_1559, %get3A_1560, %get3A_1561] : memref<1x32x224x224xf32, #tpu.memory_space<vmem>>, vector<1x32x1x224xf32>
    %get3A_1563 = vector.shape_cast %get3A_1562 : vector<1x32x1x224xf32> to vector<32x224xf32>
    %swap3A_1564 = arith.constant 0 : index
    %swap3A_1565 = arith.constant 29 : index
    %swap3A_1566 = arith.constant 0 : index
    %swap3A_1567 = arith.constant 0 : index
    %swap3A_1568 = vector.load %arg4[%swap3A_1564, %swap3A_1565, %swap3A_1566, %swap3A_1567] : memref<1x64x32x224xf32, #tpu.memory_space<vmem>>, vector<1x1x32x224xf32>
    %swap3A_1569 = vector.shape_cast %swap3A_1568 : vector<1x1x32x224xf32> to vector<32x224xf32>
    %swap3A_1570 = vector.shape_cast %get3A_1563 : vector<32x224xf32> to vector<1x1x32x224xf32>
    tpu.vector_store %arg4[%swap3A_1564, %swap3A_1565, %swap3A_1566, %swap3A_1567], %swap3A_1570 {strides = array<i32>} : memref<1x64x32x224xf32, #tpu.memory_space<vmem>>, vector<1x1x32x224xf32>,
    %get3A_1571 = arith.constant 0 : index
    %get3A_1572 = arith.constant 0 : index
    %get3A_1573 = arith.constant 106 : index
    %get3A_1574 = arith.constant 0 : index
    %get3A_1575 = vector.load %arg2[%get3A_1571, %get3A_1572, %get3A_1573, %get3A_1574] : memref<1x32x224x224xf32, #tpu.memory_space<vmem>>, vector<1x32x1x224xf32>
    %get3A_1576 = vector.shape_cast %get3A_1575 : vector<1x32x1x224xf32> to vector<32x224xf32>
    %swap3A_1577 = arith.constant 0 : index
    %swap3A_1578 = arith.constant 30 : index
    %swap3A_1579 = arith.constant 0 : index
    %swap3A_1580 = arith.constant 0 : index
    %swap3A_1581 = vector.load %arg4[%swap3A_1577, %swap3A_1578, %swap3A_1579, %swap3A_1580] : memref<1x64x32x224xf32, #tpu.memory_space<vmem>>, vector<1x1x32x224xf32>
    %swap3A_1582 = vector.shape_cast %swap3A_1581 : vector<1x1x32x224xf32> to vector<32x224xf32>
    %swap3A_1583 = vector.shape_cast %get3A_1576 : vector<32x224xf32> to vector<1x1x32x224xf32>
    tpu.vector_store %arg4[%swap3A_1577, %swap3A_1578, %swap3A_1579, %swap3A_1580], %swap3A_1583 {strides = array<i32>} : memref<1x64x32x224xf32, #tpu.memory_space<vmem>>, vector<1x1x32x224xf32>,
    %get3A_1584 = arith.constant 0 : index
    %get3A_1585 = arith.constant 0 : index
    %get3A_1586 = arith.constant 109 : index
    %get3A_1587 = arith.constant 0 : index
    %get3A_1588 = vector.load %arg2[%get3A_1584, %get3A_1585, %get3A_1586, %get3A_1587] : memref<1x32x224x224xf32, #tpu.memory_space<vmem>>, vector<1x32x1x224xf32>
    %get3A_1589 = vector.shape_cast %get3A_1588 : vector<1x32x1x224xf32> to vector<32x224xf32>
    %swap3A_1590 = arith.constant 0 : index
    %swap3A_1591 = arith.constant 31 : index
    %swap3A_1592 = arith.constant 0 : index
    %swap3A_1593 = arith.constant 0 : index
    %swap3A_1594 = vector.load %arg4[%swap3A_1590, %swap3A_1591, %swap3A_1592, %swap3A_1593] : memref<1x64x32x224xf32, #tpu.memory_space<vmem>>, vector<1x1x32x224xf32>
    %swap3A_1595 = vector.shape_cast %swap3A_1594 : vector<1x1x32x224xf32> to vector<32x224xf32>
    %swap3A_1596 = vector.shape_cast %get3A_1589 : vector<32x224xf32> to vector<1x1x32x224xf32>
    tpu.vector_store %arg4[%swap3A_1590, %swap3A_1591, %swap3A_1592, %swap3A_1593], %swap3A_1596 {strides = array<i32>} : memref<1x64x32x224xf32, #tpu.memory_space<vmem>>, vector<1x1x32x224xf32>,
    %get3A_1597 = arith.constant 0 : index
    %get3A_1598 = arith.constant 0 : index
    %get3A_1599 = arith.constant 113 : index
    %get3A_1600 = arith.constant 0 : index
    %get3A_1601 = vector.load %arg2[%get3A_1597, %get3A_1598, %get3A_1599, %get3A_1600] : memref<1x32x224x224xf32, #tpu.memory_space<vmem>>, vector<1x32x1x224xf32>
    %get3A_1602 = vector.shape_cast %get3A_1601 : vector<1x32x1x224xf32> to vector<32x224xf32>
    %swap3A_1603 = arith.constant 0 : index
    %swap3A_1604 = arith.constant 32 : index
    %swap3A_1605 = arith.constant 0 : index
    %swap3A_1606 = arith.constant 0 : index
    %swap3A_1607 = vector.load %arg4[%swap3A_1603, %swap3A_1604, %swap3A_1605, %swap3A_1606] : memref<1x64x32x224xf32, #tpu.memory_space<vmem>>, vector<1x1x32x224xf32>
    %swap3A_1608 = vector.shape_cast %swap3A_1607 : vector<1x1x32x224xf32> to vector<32x224xf32>
    %swap3A_1609 = vector.shape_cast %get3A_1602 : vector<32x224xf32> to vector<1x1x32x224xf32>
    tpu.vector_store %arg4[%swap3A_1603, %swap3A_1604, %swap3A_1605, %swap3A_1606], %swap3A_1609 {strides = array<i32>} : memref<1x64x32x224xf32, #tpu.memory_space<vmem>>, vector<1x1x32x224xf32>,
    %get3A_1610 = arith.constant 0 : index
    %get3A_1611 = arith.constant 0 : index
    %get3A_1612 = arith.constant 116 : index
    %get3A_1613 = arith.constant 0 : index
    %get3A_1614 = vector.load %arg2[%get3A_1610, %get3A_1611, %get3A_1612, %get3A_1613] : memref<1x32x224x224xf32, #tpu.memory_space<vmem>>, vector<1x32x1x224xf32>
    %get3A_1615 = vector.shape_cast %get3A_1614 : vector<1x32x1x224xf32> to vector<32x224xf32>
    %swap3A_1616 = arith.constant 0 : index
    %swap3A_1617 = arith.constant 33 : index
    %swap3A_1618 = arith.constant 0 : index
    %swap3A_1619 = arith.constant 0 : index
    %swap3A_1620 = vector.load %arg4[%swap3A_1616, %swap3A_1617, %swap3A_1618, %swap3A_1619] : memref<1x64x32x224xf32, #tpu.memory_space<vmem>>, vector<1x1x32x224xf32>
    %swap3A_1621 = vector.shape_cast %swap3A_1620 : vector<1x1x32x224xf32> to vector<32x224xf32>
    %swap3A_1622 = vector.shape_cast %get3A_1615 : vector<32x224xf32> to vector<1x1x32x224xf32>
    tpu.vector_store %arg4[%swap3A_1616, %swap3A_1617, %swap3A_1618, %swap3A_1619], %swap3A_1622 {strides = array<i32>} : memref<1x64x32x224xf32, #tpu.memory_space<vmem>>, vector<1x1x32x224xf32>,
    %get3A_1623 = arith.constant 0 : index
    %get3A_1624 = arith.constant 0 : index
    %get3A_1625 = arith.constant 120 : index
    %get3A_1626 = arith.constant 0 : index
    %get3A_1627 = vector.load %arg2[%get3A_1623, %get3A_1624, %get3A_1625, %get3A_1626] : memref<1x32x224x224xf32, #tpu.memory_space<vmem>>, vector<1x32x1x224xf32>
    %get3A_1628 = vector.shape_cast %get3A_1627 : vector<1x32x1x224xf32> to vector<32x224xf32>
    %swap3A_1629 = arith.constant 0 : index
    %swap3A_1630 = arith.constant 34 : index
    %swap3A_1631 = arith.constant 0 : index
    %swap3A_1632 = arith.constant 0 : index
    %swap3A_1633 = vector.load %arg4[%swap3A_1629, %swap3A_1630, %swap3A_1631, %swap3A_1632] : memref<1x64x32x224xf32, #tpu.memory_space<vmem>>, vector<1x1x32x224xf32>
    %swap3A_1634 = vector.shape_cast %swap3A_1633 : vector<1x1x32x224xf32> to vector<32x224xf32>
    %swap3A_1635 = vector.shape_cast %get3A_1628 : vector<32x224xf32> to vector<1x1x32x224xf32>
    tpu.vector_store %arg4[%swap3A_1629, %swap3A_1630, %swap3A_1631, %swap3A_1632], %swap3A_1635 {strides = array<i32>} : memref<1x64x32x224xf32, #tpu.memory_space<vmem>>, vector<1x1x32x224xf32>,
    %get3A_1636 = arith.constant 0 : index
    %get3A_1637 = arith.constant 0 : index
    %get3A_1638 = arith.constant 123 : index
    %get3A_1639 = arith.constant 0 : index
    %get3A_1640 = vector.load %arg2[%get3A_1636, %get3A_1637, %get3A_1638, %get3A_1639] : memref<1x32x224x224xf32, #tpu.memory_space<vmem>>, vector<1x32x1x224xf32>
    %get3A_1641 = vector.shape_cast %get3A_1640 : vector<1x32x1x224xf32> to vector<32x224xf32>
    %swap3A_1642 = arith.constant 0 : index
    %swap3A_1643 = arith.constant 35 : index
    %swap3A_1644 = arith.constant 0 : index
    %swap3A_1645 = arith.constant 0 : index
    %swap3A_1646 = vector.load %arg4[%swap3A_1642, %swap3A_1643, %swap3A_1644, %swap3A_1645] : memref<1x64x32x224xf32, #tpu.memory_space<vmem>>, vector<1x1x32x224xf32>
    %swap3A_1647 = vector.shape_cast %swap3A_1646 : vector<1x1x32x224xf32> to vector<32x224xf32>
    %swap3A_1648 = vector.shape_cast %get3A_1641 : vector<32x224xf32> to vector<1x1x32x224xf32>
    tpu.vector_store %arg4[%swap3A_1642, %swap3A_1643, %swap3A_1644, %swap3A_1645], %swap3A_1648 {strides = array<i32>} : memref<1x64x32x224xf32, #tpu.memory_space<vmem>>, vector<1x1x32x224xf32>,
    %get3A_1649 = arith.constant 0 : index
    %get3A_1650 = arith.constant 0 : index
    %get3A_1651 = arith.constant 127 : index
    %get3A_1652 = arith.constant 0 : index
    %get3A_1653 = vector.load %arg2[%get3A_1649, %get3A_1650, %get3A_1651, %get3A_1652] : memref<1x32x224x224xf32, #tpu.memory_space<vmem>>, vector<1x32x1x224xf32>
    %get3A_1654 = vector.shape_cast %get3A_1653 : vector<1x32x1x224xf32> to vector<32x224xf32>
    %swap3A_1655 = arith.constant 0 : index
    %swap3A_1656 = arith.constant 36 : index
    %swap3A_1657 = arith.constant 0 : index
    %swap3A_1658 = arith.constant 0 : index
    %swap3A_1659 = vector.load %arg4[%swap3A_1655, %swap3A_1656, %swap3A_1657, %swap3A_1658] : memref<1x64x32x224xf32, #tpu.memory_space<vmem>>, vector<1x1x32x224xf32>
    %swap3A_1660 = vector.shape_cast %swap3A_1659 : vector<1x1x32x224xf32> to vector<32x224xf32>
    %swap3A_1661 = vector.shape_cast %get3A_1654 : vector<32x224xf32> to vector<1x1x32x224xf32>
    tpu.vector_store %arg4[%swap3A_1655, %swap3A_1656, %swap3A_1657, %swap3A_1658], %swap3A_1661 {strides = array<i32>} : memref<1x64x32x224xf32, #tpu.memory_space<vmem>>, vector<1x1x32x224xf32>,
    %get3A_1662 = arith.constant 0 : index
    %get3A_1663 = arith.constant 0 : index
    %get3A_1664 = arith.constant 130 : index
    %get3A_1665 = arith.constant 0 : index
    %get3A_1666 = vector.load %arg2[%get3A_1662, %get3A_1663, %get3A_1664, %get3A_1665] : memref<1x32x224x224xf32, #tpu.memory_space<vmem>>, vector<1x32x1x224xf32>
    %get3A_1667 = vector.shape_cast %get3A_1666 : vector<1x32x1x224xf32> to vector<32x224xf32>
    %swap3A_1668 = arith.constant 0 : index
    %swap3A_1669 = arith.constant 37 : index
    %swap3A_1670 = arith.constant 0 : index
    %swap3A_1671 = arith.constant 0 : index
    %swap3A_1672 = vector.load %arg4[%swap3A_1668, %swap3A_1669, %swap3A_1670, %swap3A_1671] : memref<1x64x32x224xf32, #tpu.memory_space<vmem>>, vector<1x1x32x224xf32>
    %swap3A_1673 = vector.shape_cast %swap3A_1672 : vector<1x1x32x224xf32> to vector<32x224xf32>
    %swap3A_1674 = vector.shape_cast %get3A_1667 : vector<32x224xf32> to vector<1x1x32x224xf32>
    tpu.vector_store %arg4[%swap3A_1668, %swap3A_1669, %swap3A_1670, %swap3A_1671], %swap3A_1674 {strides = array<i32>} : memref<1x64x32x224xf32, #tpu.memory_space<vmem>>, vector<1x1x32x224xf32>,
    %get3A_1675 = arith.constant 0 : index
    %get3A_1676 = arith.constant 0 : index
    %get3A_1677 = arith.constant 134 : index
    %get3A_1678 = arith.constant 0 : index
    %get3A_1679 = vector.load %arg2[%get3A_1675, %get3A_1676, %get3A_1677, %get3A_1678] : memref<1x32x224x224xf32, #tpu.memory_space<vmem>>, vector<1x32x1x224xf32>
    %get3A_1680 = vector.shape_cast %get3A_1679 : vector<1x32x1x224xf32> to vector<32x224xf32>
    %swap3A_1681 = arith.constant 0 : index
    %swap3A_1682 = arith.constant 38 : index
    %swap3A_1683 = arith.constant 0 : index
    %swap3A_1684 = arith.constant 0 : index
    %swap3A_1685 = vector.load %arg4[%swap3A_1681, %swap3A_1682, %swap3A_1683, %swap3A_1684] : memref<1x64x32x224xf32, #tpu.memory_space<vmem>>, vector<1x1x32x224xf32>
    %swap3A_1686 = vector.shape_cast %swap3A_1685 : vector<1x1x32x224xf32> to vector<32x224xf32>
    %swap3A_1687 = vector.shape_cast %get3A_1680 : vector<32x224xf32> to vector<1x1x32x224xf32>
    tpu.vector_store %arg4[%swap3A_1681, %swap3A_1682, %swap3A_1683, %swap3A_1684], %swap3A_1687 {strides = array<i32>} : memref<1x64x32x224xf32, #tpu.memory_space<vmem>>, vector<1x1x32x224xf32>,
    %get3A_1688 = arith.constant 0 : index
    %get3A_1689 = arith.constant 0 : index
    %get3A_1690 = arith.constant 138 : index
    %get3A_1691 = arith.constant 0 : index
    %get3A_1692 = vector.load %arg2[%get3A_1688, %get3A_1689, %get3A_1690, %get3A_1691] : memref<1x32x224x224xf32, #tpu.memory_space<vmem>>, vector<1x32x1x224xf32>
    %get3A_1693 = vector.shape_cast %get3A_1692 : vector<1x32x1x224xf32> to vector<32x224xf32>
    %swap3A_1694 = arith.constant 0 : index
    %swap3A_1695 = arith.constant 39 : index
    %swap3A_1696 = arith.constant 0 : index
    %swap3A_1697 = arith.constant 0 : index
    %swap3A_1698 = vector.load %arg4[%swap3A_1694, %swap3A_1695, %swap3A_1696, %swap3A_1697] : memref<1x64x32x224xf32, #tpu.memory_space<vmem>>, vector<1x1x32x224xf32>
    %swap3A_1699 = vector.shape_cast %swap3A_1698 : vector<1x1x32x224xf32> to vector<32x224xf32>
    %swap3A_1700 = vector.shape_cast %get3A_1693 : vector<32x224xf32> to vector<1x1x32x224xf32>
    tpu.vector_store %arg4[%swap3A_1694, %swap3A_1695, %swap3A_1696, %swap3A_1697], %swap3A_1700 {strides = array<i32>} : memref<1x64x32x224xf32, #tpu.memory_space<vmem>>, vector<1x1x32x224xf32>,
    %get3A_1701 = arith.constant 0 : index
    %get3A_1702 = arith.constant 0 : index
    %get3A_1703 = arith.constant 141 : index
    %get3A_1704 = arith.constant 0 : index
    %get3A_1705 = vector.load %arg2[%get3A_1701, %get3A_1702, %get3A_1703, %get3A_1704] : memref<1x32x224x224xf32, #tpu.memory_space<vmem>>, vector<1x32x1x224xf32>
    %get3A_1706 = vector.shape_cast %get3A_1705 : vector<1x32x1x224xf32> to vector<32x224xf32>
    %swap3A_1707 = arith.constant 0 : index
    %swap3A_1708 = arith.constant 40 : index
    %swap3A_1709 = arith.constant 0 : index
    %swap3A_1710 = arith.constant 0 : index
    %swap3A_1711 = vector.load %arg4[%swap3A_1707, %swap3A_1708, %swap3A_1709, %swap3A_1710] : memref<1x64x32x224xf32, #tpu.memory_space<vmem>>, vector<1x1x32x224xf32>
    %swap3A_1712 = vector.shape_cast %swap3A_1711 : vector<1x1x32x224xf32> to vector<32x224xf32>
    %swap3A_1713 = vector.shape_cast %get3A_1706 : vector<32x224xf32> to vector<1x1x32x224xf32>
    tpu.vector_store %arg4[%swap3A_1707, %swap3A_1708, %swap3A_1709, %swap3A_1710], %swap3A_1713 {strides = array<i32>} : memref<1x64x32x224xf32, #tpu.memory_space<vmem>>, vector<1x1x32x224xf32>,
    %get3A_1714 = arith.constant 0 : index
    %get3A_1715 = arith.constant 0 : index
    %get3A_1716 = arith.constant 145 : index
    %get3A_1717 = arith.constant 0 : index
    %get3A_1718 = vector.load %arg2[%get3A_1714, %get3A_1715, %get3A_1716, %get3A_1717] : memref<1x32x224x224xf32, #tpu.memory_space<vmem>>, vector<1x32x1x224xf32>
    %get3A_1719 = vector.shape_cast %get3A_1718 : vector<1x32x1x224xf32> to vector<32x224xf32>
    %swap3A_1720 = arith.constant 0 : index
    %swap3A_1721 = arith.constant 41 : index
    %swap3A_1722 = arith.constant 0 : index
    %swap3A_1723 = arith.constant 0 : index
    %swap3A_1724 = vector.load %arg4[%swap3A_1720, %swap3A_1721, %swap3A_1722, %swap3A_1723] : memref<1x64x32x224xf32, #tpu.memory_space<vmem>>, vector<1x1x32x224xf32>
    %swap3A_1725 = vector.shape_cast %swap3A_1724 : vector<1x1x32x224xf32> to vector<32x224xf32>
    %swap3A_1726 = vector.shape_cast %get3A_1719 : vector<32x224xf32> to vector<1x1x32x224xf32>
    tpu.vector_store %arg4[%swap3A_1720, %swap3A_1721, %swap3A_1722, %swap3A_1723], %swap3A_1726 {strides = array<i32>} : memref<1x64x32x224xf32, #tpu.memory_space<vmem>>, vector<1x1x32x224xf32>,
    %get3A_1727 = arith.constant 0 : index
    %get3A_1728 = arith.constant 0 : index
    %get3A_1729 = arith.constant 148 : index
    %get3A_1730 = arith.constant 0 : index
    %get3A_1731 = vector.load %arg2[%get3A_1727, %get3A_1728, %get3A_1729, %get3A_1730] : memref<1x32x224x224xf32, #tpu.memory_space<vmem>>, vector<1x32x1x224xf32>
    %get3A_1732 = vector.shape_cast %get3A_1731 : vector<1x32x1x224xf32> to vector<32x224xf32>
    %swap3A_1733 = arith.constant 0 : index
    %swap3A_1734 = arith.constant 42 : index
    %swap3A_1735 = arith.constant 0 : index
    %swap3A_1736 = arith.constant 0 : index
    %swap3A_1737 = vector.load %arg4[%swap3A_1733, %swap3A_1734, %swap3A_1735, %swap3A_1736] : memref<1x64x32x224xf32, #tpu.memory_space<vmem>>, vector<1x1x32x224xf32>
    %swap3A_1738 = vector.shape_cast %swap3A_1737 : vector<1x1x32x224xf32> to vector<32x224xf32>
    %swap3A_1739 = vector.shape_cast %get3A_1732 : vector<32x224xf32> to vector<1x1x32x224xf32>
    tpu.vector_store %arg4[%swap3A_1733, %swap3A_1734, %swap3A_1735, %swap3A_1736], %swap3A_1739 {strides = array<i32>} : memref<1x64x32x224xf32, #tpu.memory_space<vmem>>, vector<1x1x32x224xf32>,
    %get3A_1740 = arith.constant 0 : index
    %get3A_1741 = arith.constant 0 : index
    %get3A_1742 = arith.constant 152 : index
    %get3A_1743 = arith.constant 0 : index
    %get3A_1744 = vector.load %arg2[%get3A_1740, %get3A_1741, %get3A_1742, %get3A_1743] : memref<1x32x224x224xf32, #tpu.memory_space<vmem>>, vector<1x32x1x224xf32>
    %get3A_1745 = vector.shape_cast %get3A_1744 : vector<1x32x1x224xf32> to vector<32x224xf32>
    %swap3A_1746 = arith.constant 0 : index
    %swap3A_1747 = arith.constant 43 : index
    %swap3A_1748 = arith.constant 0 : index
    %swap3A_1749 = arith.constant 0 : index
    %swap3A_1750 = vector.load %arg4[%swap3A_1746, %swap3A_1747, %swap3A_1748, %swap3A_1749] : memref<1x64x32x224xf32, #tpu.memory_space<vmem>>, vector<1x1x32x224xf32>
    %swap3A_1751 = vector.shape_cast %swap3A_1750 : vector<1x1x32x224xf32> to vector<32x224xf32>
    %swap3A_1752 = vector.shape_cast %get3A_1745 : vector<32x224xf32> to vector<1x1x32x224xf32>
    tpu.vector_store %arg4[%swap3A_1746, %swap3A_1747, %swap3A_1748, %swap3A_1749], %swap3A_1752 {strides = array<i32>} : memref<1x64x32x224xf32, #tpu.memory_space<vmem>>, vector<1x1x32x224xf32>,
    %get3A_1753 = arith.constant 0 : index
    %get3A_1754 = arith.constant 0 : index
    %get3A_1755 = arith.constant 155 : index
    %get3A_1756 = arith.constant 0 : index
    %get3A_1757 = vector.load %arg2[%get3A_1753, %get3A_1754, %get3A_1755, %get3A_1756] : memref<1x32x224x224xf32, #tpu.memory_space<vmem>>, vector<1x32x1x224xf32>
    %get3A_1758 = vector.shape_cast %get3A_1757 : vector<1x32x1x224xf32> to vector<32x224xf32>
    %swap3A_1759 = arith.constant 0 : index
    %swap3A_1760 = arith.constant 44 : index
    %swap3A_1761 = arith.constant 0 : index
    %swap3A_1762 = arith.constant 0 : index
    %swap3A_1763 = vector.load %arg4[%swap3A_1759, %swap3A_1760, %swap3A_1761, %swap3A_1762] : memref<1x64x32x224xf32, #tpu.memory_space<vmem>>, vector<1x1x32x224xf32>
    %swap3A_1764 = vector.shape_cast %swap3A_1763 : vector<1x1x32x224xf32> to vector<32x224xf32>
    %swap3A_1765 = vector.shape_cast %get3A_1758 : vector<32x224xf32> to vector<1x1x32x224xf32>
    tpu.vector_store %arg4[%swap3A_1759, %swap3A_1760, %swap3A_1761, %swap3A_1762], %swap3A_1765 {strides = array<i32>} : memref<1x64x32x224xf32, #tpu.memory_space<vmem>>, vector<1x1x32x224xf32>,
    %get3A_1766 = arith.constant 0 : index
    %get3A_1767 = arith.constant 0 : index
    %get3A_1768 = arith.constant 159 : index
    %get3A_1769 = arith.constant 0 : index
    %get3A_1770 = vector.load %arg2[%get3A_1766, %get3A_1767, %get3A_1768, %get3A_1769] : memref<1x32x224x224xf32, #tpu.memory_space<vmem>>, vector<1x32x1x224xf32>
    %get3A_1771 = vector.shape_cast %get3A_1770 : vector<1x32x1x224xf32> to vector<32x224xf32>
    %swap3A_1772 = arith.constant 0 : index
    %swap3A_1773 = arith.constant 45 : index
    %swap3A_1774 = arith.constant 0 : index
    %swap3A_1775 = arith.constant 0 : index
    %swap3A_1776 = vector.load %arg4[%swap3A_1772, %swap3A_1773, %swap3A_1774, %swap3A_1775] : memref<1x64x32x224xf32, #tpu.memory_space<vmem>>, vector<1x1x32x224xf32>
    %swap3A_1777 = vector.shape_cast %swap3A_1776 : vector<1x1x32x224xf32> to vector<32x224xf32>
    %swap3A_1778 = vector.shape_cast %get3A_1771 : vector<32x224xf32> to vector<1x1x32x224xf32>
    tpu.vector_store %arg4[%swap3A_1772, %swap3A_1773, %swap3A_1774, %swap3A_1775], %swap3A_1778 {strides = array<i32>} : memref<1x64x32x224xf32, #tpu.memory_space<vmem>>, vector<1x1x32x224xf32>,
    %get3A_1779 = arith.constant 0 : index
    %get3A_1780 = arith.constant 0 : index
    %get3A_1781 = arith.constant 162 : index
    %get3A_1782 = arith.constant 0 : index
    %get3A_1783 = vector.load %arg2[%get3A_1779, %get3A_1780, %get3A_1781, %get3A_1782] : memref<1x32x224x224xf32, #tpu.memory_space<vmem>>, vector<1x32x1x224xf32>
    %get3A_1784 = vector.shape_cast %get3A_1783 : vector<1x32x1x224xf32> to vector<32x224xf32>
    %swap3A_1785 = arith.constant 0 : index
    %swap3A_1786 = arith.constant 46 : index
    %swap3A_1787 = arith.constant 0 : index
    %swap3A_1788 = arith.constant 0 : index
    %swap3A_1789 = vector.load %arg4[%swap3A_1785, %swap3A_1786, %swap3A_1787, %swap3A_1788] : memref<1x64x32x224xf32, #tpu.memory_space<vmem>>, vector<1x1x32x224xf32>
    %swap3A_1790 = vector.shape_cast %swap3A_1789 : vector<1x1x32x224xf32> to vector<32x224xf32>
    %swap3A_1791 = vector.shape_cast %get3A_1784 : vector<32x224xf32> to vector<1x1x32x224xf32>
    tpu.vector_store %arg4[%swap3A_1785, %swap3A_1786, %swap3A_1787, %swap3A_1788], %swap3A_1791 {strides = array<i32>} : memref<1x64x32x224xf32, #tpu.memory_space<vmem>>, vector<1x1x32x224xf32>,
    %get3A_1792 = arith.constant 0 : index
    %get3A_1793 = arith.constant 0 : index
    %get3A_1794 = arith.constant 166 : index
    %get3A_1795 = arith.constant 0 : index
    %get3A_1796 = vector.load %arg2[%get3A_1792, %get3A_1793, %get3A_1794, %get3A_1795] : memref<1x32x224x224xf32, #tpu.memory_space<vmem>>, vector<1x32x1x224xf32>
    %get3A_1797 = vector.shape_cast %get3A_1796 : vector<1x32x1x224xf32> to vector<32x224xf32>
    %swap3A_1798 = arith.constant 0 : index
    %swap3A_1799 = arith.constant 47 : index
    %swap3A_1800 = arith.constant 0 : index
    %swap3A_1801 = arith.constant 0 : index
    %swap3A_1802 = vector.load %arg4[%swap3A_1798, %swap3A_1799, %swap3A_1800, %swap3A_1801] : memref<1x64x32x224xf32, #tpu.memory_space<vmem>>, vector<1x1x32x224xf32>
    %swap3A_1803 = vector.shape_cast %swap3A_1802 : vector<1x1x32x224xf32> to vector<32x224xf32>
    %swap3A_1804 = vector.shape_cast %get3A_1797 : vector<32x224xf32> to vector<1x1x32x224xf32>
    tpu.vector_store %arg4[%swap3A_1798, %swap3A_1799, %swap3A_1800, %swap3A_1801], %swap3A_1804 {strides = array<i32>} : memref<1x64x32x224xf32, #tpu.memory_space<vmem>>, vector<1x1x32x224xf32>,
    %get3A_1805 = arith.constant 0 : index
    %get3A_1806 = arith.constant 0 : index
    %get3A_1807 = arith.constant 169 : index
    %get3A_1808 = arith.constant 0 : index
    %get3A_1809 = vector.load %arg2[%get3A_1805, %get3A_1806, %get3A_1807, %get3A_1808] : memref<1x32x224x224xf32, #tpu.memory_space<vmem>>, vector<1x32x1x224xf32>
    %get3A_1810 = vector.shape_cast %get3A_1809 : vector<1x32x1x224xf32> to vector<32x224xf32>
    %swap3A_1811 = arith.constant 0 : index
    %swap3A_1812 = arith.constant 48 : index
    %swap3A_1813 = arith.constant 0 : index
    %swap3A_1814 = arith.constant 0 : index
    %swap3A_1815 = vector.load %arg4[%swap3A_1811, %swap3A_1812, %swap3A_1813, %swap3A_1814] : memref<1x64x32x224xf32, #tpu.memory_space<vmem>>, vector<1x1x32x224xf32>
    %swap3A_1816 = vector.shape_cast %swap3A_1815 : vector<1x1x32x224xf32> to vector<32x224xf32>
    %swap3A_1817 = vector.shape_cast %get3A_1810 : vector<32x224xf32> to vector<1x1x32x224xf32>
    tpu.vector_store %arg4[%swap3A_1811, %swap3A_1812, %swap3A_1813, %swap3A_1814], %swap3A_1817 {strides = array<i32>} : memref<1x64x32x224xf32, #tpu.memory_space<vmem>>, vector<1x1x32x224xf32>,
    %get3A_1818 = arith.constant 0 : index
    %get3A_1819 = arith.constant 0 : index
    %get3A_1820 = arith.constant 173 : index
    %get3A_1821 = arith.constant 0 : index
    %get3A_1822 = vector.load %arg2[%get3A_1818, %get3A_1819, %get3A_1820, %get3A_1821] : memref<1x32x224x224xf32, #tpu.memory_space<vmem>>, vector<1x32x1x224xf32>
    %get3A_1823 = vector.shape_cast %get3A_1822 : vector<1x32x1x224xf32> to vector<32x224xf32>
    %swap3A_1824 = arith.constant 0 : index
    %swap3A_1825 = arith.constant 49 : index
    %swap3A_1826 = arith.constant 0 : index
    %swap3A_1827 = arith.constant 0 : index
    %swap3A_1828 = vector.load %arg4[%swap3A_1824, %swap3A_1825, %swap3A_1826, %swap3A_1827] : memref<1x64x32x224xf32, #tpu.memory_space<vmem>>, vector<1x1x32x224xf32>
    %swap3A_1829 = vector.shape_cast %swap3A_1828 : vector<1x1x32x224xf32> to vector<32x224xf32>
    %swap3A_1830 = vector.shape_cast %get3A_1823 : vector<32x224xf32> to vector<1x1x32x224xf32>
    tpu.vector_store %arg4[%swap3A_1824, %swap3A_1825, %swap3A_1826, %swap3A_1827], %swap3A_1830 {strides = array<i32>} : memref<1x64x32x224xf32, #tpu.memory_space<vmem>>, vector<1x1x32x224xf32>,
    %get3A_1831 = arith.constant 0 : index
    %get3A_1832 = arith.constant 0 : index
    %get3A_1833 = arith.constant 176 : index
    %get3A_1834 = arith.constant 0 : index
    %get3A_1835 = vector.load %arg2[%get3A_1831, %get3A_1832, %get3A_1833, %get3A_1834] : memref<1x32x224x224xf32, #tpu.memory_space<vmem>>, vector<1x32x1x224xf32>
    %get3A_1836 = vector.shape_cast %get3A_1835 : vector<1x32x1x224xf32> to vector<32x224xf32>
    %swap3A_1837 = arith.constant 0 : index
    %swap3A_1838 = arith.constant 50 : index
    %swap3A_1839 = arith.constant 0 : index
    %swap3A_1840 = arith.constant 0 : index
    %swap3A_1841 = vector.load %arg4[%swap3A_1837, %swap3A_1838, %swap3A_1839, %swap3A_1840] : memref<1x64x32x224xf32, #tpu.memory_space<vmem>>, vector<1x1x32x224xf32>
    %swap3A_1842 = vector.shape_cast %swap3A_1841 : vector<1x1x32x224xf32> to vector<32x224xf32>
    %swap3A_1843 = vector.shape_cast %get3A_1836 : vector<32x224xf32> to vector<1x1x32x224xf32>
    tpu.vector_store %arg4[%swap3A_1837, %swap3A_1838, %swap3A_1839, %swap3A_1840], %swap3A_1843 {strides = array<i32>} : memref<1x64x32x224xf32, #tpu.memory_space<vmem>>, vector<1x1x32x224xf32>,
    %get3A_1844 = arith.constant 0 : index
    %get3A_1845 = arith.constant 0 : index
    %get3A_1846 = arith.constant 180 : index
    %get3A_1847 = arith.constant 0 : index
    %get3A_1848 = vector.load %arg2[%get3A_1844, %get3A_1845, %get3A_1846, %get3A_1847] : memref<1x32x224x224xf32, #tpu.memory_space<vmem>>, vector<1x32x1x224xf32>
    %get3A_1849 = vector.shape_cast %get3A_1848 : vector<1x32x1x224xf32> to vector<32x224xf32>
    %swap3A_1850 = arith.constant 0 : index
    %swap3A_1851 = arith.constant 51 : index
    %swap3A_1852 = arith.constant 0 : index
    %swap3A_1853 = arith.constant 0 : index
    %swap3A_1854 = vector.load %arg4[%swap3A_1850, %swap3A_1851, %swap3A_1852, %swap3A_1853] : memref<1x64x32x224xf32, #tpu.memory_space<vmem>>, vector<1x1x32x224xf32>
    %swap3A_1855 = vector.shape_cast %swap3A_1854 : vector<1x1x32x224xf32> to vector<32x224xf32>
    %swap3A_1856 = vector.shape_cast %get3A_1849 : vector<32x224xf32> to vector<1x1x32x224xf32>
    tpu.vector_store %arg4[%swap3A_1850, %swap3A_1851, %swap3A_1852, %swap3A_1853], %swap3A_1856 {strides = array<i32>} : memref<1x64x32x224xf32, #tpu.memory_space<vmem>>, vector<1x1x32x224xf32>,
    %get3A_1857 = arith.constant 0 : index
    %get3A_1858 = arith.constant 0 : index
    %get3A_1859 = arith.constant 184 : index
    %get3A_1860 = arith.constant 0 : index
    %get3A_1861 = vector.load %arg2[%get3A_1857, %get3A_1858, %get3A_1859, %get3A_1860] : memref<1x32x224x224xf32, #tpu.memory_space<vmem>>, vector<1x32x1x224xf32>
    %get3A_1862 = vector.shape_cast %get3A_1861 : vector<1x32x1x224xf32> to vector<32x224xf32>
    %swap3A_1863 = arith.constant 0 : index
    %swap3A_1864 = arith.constant 52 : index
    %swap3A_1865 = arith.constant 0 : index
    %swap3A_1866 = arith.constant 0 : index
    %swap3A_1867 = vector.load %arg4[%swap3A_1863, %swap3A_1864, %swap3A_1865, %swap3A_1866] : memref<1x64x32x224xf32, #tpu.memory_space<vmem>>, vector<1x1x32x224xf32>
    %swap3A_1868 = vector.shape_cast %swap3A_1867 : vector<1x1x32x224xf32> to vector<32x224xf32>
    %swap3A_1869 = vector.shape_cast %get3A_1862 : vector<32x224xf32> to vector<1x1x32x224xf32>
    tpu.vector_store %arg4[%swap3A_1863, %swap3A_1864, %swap3A_1865, %swap3A_1866], %swap3A_1869 {strides = array<i32>} : memref<1x64x32x224xf32, #tpu.memory_space<vmem>>, vector<1x1x32x224xf32>,
    %get3A_1870 = arith.constant 0 : index
    %get3A_1871 = arith.constant 0 : index
    %get3A_1872 = arith.constant 187 : index
    %get3A_1873 = arith.constant 0 : index
    %get3A_1874 = vector.load %arg2[%get3A_1870, %get3A_1871, %get3A_1872, %get3A_1873] : memref<1x32x224x224xf32, #tpu.memory_space<vmem>>, vector<1x32x1x224xf32>
    %get3A_1875 = vector.shape_cast %get3A_1874 : vector<1x32x1x224xf32> to vector<32x224xf32>
    %swap3A_1876 = arith.constant 0 : index
    %swap3A_1877 = arith.constant 53 : index
    %swap3A_1878 = arith.constant 0 : index
    %swap3A_1879 = arith.constant 0 : index
    %swap3A_1880 = vector.load %arg4[%swap3A_1876, %swap3A_1877, %swap3A_1878, %swap3A_1879] : memref<1x64x32x224xf32, #tpu.memory_space<vmem>>, vector<1x1x32x224xf32>
    %swap3A_1881 = vector.shape_cast %swap3A_1880 : vector<1x1x32x224xf32> to vector<32x224xf32>
    %swap3A_1882 = vector.shape_cast %get3A_1875 : vector<32x224xf32> to vector<1x1x32x224xf32>
    tpu.vector_store %arg4[%swap3A_1876, %swap3A_1877, %swap3A_1878, %swap3A_1879], %swap3A_1882 {strides = array<i32>} : memref<1x64x32x224xf32, #tpu.memory_space<vmem>>, vector<1x1x32x224xf32>,
    %get3A_1883 = arith.constant 0 : index
    %get3A_1884 = arith.constant 0 : index
    %get3A_1885 = arith.constant 191 : index
    %get3A_1886 = arith.constant 0 : index
    %get3A_1887 = vector.load %arg2[%get3A_1883, %get3A_1884, %get3A_1885, %get3A_1886] : memref<1x32x224x224xf32, #tpu.memory_space<vmem>>, vector<1x32x1x224xf32>
    %get3A_1888 = vector.shape_cast %get3A_1887 : vector<1x32x1x224xf32> to vector<32x224xf32>
    %swap3A_1889 = arith.constant 0 : index
    %swap3A_1890 = arith.constant 54 : index
    %swap3A_1891 = arith.constant 0 : index
    %swap3A_1892 = arith.constant 0 : index
    %swap3A_1893 = vector.load %arg4[%swap3A_1889, %swap3A_1890, %swap3A_1891, %swap3A_1892] : memref<1x64x32x224xf32, #tpu.memory_space<vmem>>, vector<1x1x32x224xf32>
    %swap3A_1894 = vector.shape_cast %swap3A_1893 : vector<1x1x32x224xf32> to vector<32x224xf32>
    %swap3A_1895 = vector.shape_cast %get3A_1888 : vector<32x224xf32> to vector<1x1x32x224xf32>
    tpu.vector_store %arg4[%swap3A_1889, %swap3A_1890, %swap3A_1891, %swap3A_1892], %swap3A_1895 {strides = array<i32>} : memref<1x64x32x224xf32, #tpu.memory_space<vmem>>, vector<1x1x32x224xf32>,
    %get3A_1896 = arith.constant 0 : index
    %get3A_1897 = arith.constant 0 : index
    %get3A_1898 = arith.constant 194 : index
    %get3A_1899 = arith.constant 0 : index
    %get3A_1900 = vector.load %arg2[%get3A_1896, %get3A_1897, %get3A_1898, %get3A_1899] : memref<1x32x224x224xf32, #tpu.memory_space<vmem>>, vector<1x32x1x224xf32>
    %get3A_1901 = vector.shape_cast %get3A_1900 : vector<1x32x1x224xf32> to vector<32x224xf32>
    %swap3A_1902 = arith.constant 0 : index
    %swap3A_1903 = arith.constant 55 : index
    %swap3A_1904 = arith.constant 0 : index
    %swap3A_1905 = arith.constant 0 : index
    %swap3A_1906 = vector.load %arg4[%swap3A_1902, %swap3A_1903, %swap3A_1904, %swap3A_1905] : memref<1x64x32x224xf32, #tpu.memory_space<vmem>>, vector<1x1x32x224xf32>
    %swap3A_1907 = vector.shape_cast %swap3A_1906 : vector<1x1x32x224xf32> to vector<32x224xf32>
    %swap3A_1908 = vector.shape_cast %get3A_1901 : vector<32x224xf32> to vector<1x1x32x224xf32>
    tpu.vector_store %arg4[%swap3A_1902, %swap3A_1903, %swap3A_1904, %swap3A_1905], %swap3A_1908 {strides = array<i32>} : memref<1x64x32x224xf32, #tpu.memory_space<vmem>>, vector<1x1x32x224xf32>,
    %get3A_1909 = arith.constant 0 : index
    %get3A_1910 = arith.constant 0 : index
    %get3A_1911 = arith.constant 198 : index
    %get3A_1912 = arith.constant 0 : index
    %get3A_1913 = vector.load %arg2[%get3A_1909, %get3A_1910, %get3A_1911, %get3A_1912] : memref<1x32x224x224xf32, #tpu.memory_space<vmem>>, vector<1x32x1x224xf32>
    %get3A_1914 = vector.shape_cast %get3A_1913 : vector<1x32x1x224xf32> to vector<32x224xf32>
    %swap3A_1915 = arith.constant 0 : index
    %swap3A_1916 = arith.constant 56 : index
    %swap3A_1917 = arith.constant 0 : index
    %swap3A_1918 = arith.constant 0 : index
    %swap3A_1919 = vector.load %arg4[%swap3A_1915, %swap3A_1916, %swap3A_1917, %swap3A_1918] : memref<1x64x32x224xf32, #tpu.memory_space<vmem>>, vector<1x1x32x224xf32>
    %swap3A_1920 = vector.shape_cast %swap3A_1919 : vector<1x1x32x224xf32> to vector<32x224xf32>
    %swap3A_1921 = vector.shape_cast %get3A_1914 : vector<32x224xf32> to vector<1x1x32x224xf32>
    tpu.vector_store %arg4[%swap3A_1915, %swap3A_1916, %swap3A_1917, %swap3A_1918], %swap3A_1921 {strides = array<i32>} : memref<1x64x32x224xf32, #tpu.memory_space<vmem>>, vector<1x1x32x224xf32>,
    %get3A_1922 = arith.constant 0 : index
    %get3A_1923 = arith.constant 0 : index
    %get3A_1924 = arith.constant 201 : index
    %get3A_1925 = arith.constant 0 : index
    %get3A_1926 = vector.load %arg2[%get3A_1922, %get3A_1923, %get3A_1924, %get3A_1925] : memref<1x32x224x224xf32, #tpu.memory_space<vmem>>, vector<1x32x1x224xf32>
    %get3A_1927 = vector.shape_cast %get3A_1926 : vector<1x32x1x224xf32> to vector<32x224xf32>
    %swap3A_1928 = arith.constant 0 : index
    %swap3A_1929 = arith.constant 57 : index
    %swap3A_1930 = arith.constant 0 : index
    %swap3A_1931 = arith.constant 0 : index
    %swap3A_1932 = vector.load %arg4[%swap3A_1928, %swap3A_1929, %swap3A_1930, %swap3A_1931] : memref<1x64x32x224xf32, #tpu.memory_space<vmem>>, vector<1x1x32x224xf32>
    %swap3A_1933 = vector.shape_cast %swap3A_1932 : vector<1x1x32x224xf32> to vector<32x224xf32>
    %swap3A_1934 = vector.shape_cast %get3A_1927 : vector<32x224xf32> to vector<1x1x32x224xf32>
    tpu.vector_store %arg4[%swap3A_1928, %swap3A_1929, %swap3A_1930, %swap3A_1931], %swap3A_1934 {strides = array<i32>} : memref<1x64x32x224xf32, #tpu.memory_space<vmem>>, vector<1x1x32x224xf32>,
    %get3A_1935 = arith.constant 0 : index
    %get3A_1936 = arith.constant 0 : index
    %get3A_1937 = arith.constant 205 : index
    %get3A_1938 = arith.constant 0 : index
    %get3A_1939 = vector.load %arg2[%get3A_1935, %get3A_1936, %get3A_1937, %get3A_1938] : memref<1x32x224x224xf32, #tpu.memory_space<vmem>>, vector<1x32x1x224xf32>
    %get3A_1940 = vector.shape_cast %get3A_1939 : vector<1x32x1x224xf32> to vector<32x224xf32>
    %swap3A_1941 = arith.constant 0 : index
    %swap3A_1942 = arith.constant 58 : index
    %swap3A_1943 = arith.constant 0 : index
    %swap3A_1944 = arith.constant 0 : index
    %swap3A_1945 = vector.load %arg4[%swap3A_1941, %swap3A_1942, %swap3A_1943, %swap3A_1944] : memref<1x64x32x224xf32, #tpu.memory_space<vmem>>, vector<1x1x32x224xf32>
    %swap3A_1946 = vector.shape_cast %swap3A_1945 : vector<1x1x32x224xf32> to vector<32x224xf32>
    %swap3A_1947 = vector.shape_cast %get3A_1940 : vector<32x224xf32> to vector<1x1x32x224xf32>
    tpu.vector_store %arg4[%swap3A_1941, %swap3A_1942, %swap3A_1943, %swap3A_1944], %swap3A_1947 {strides = array<i32>} : memref<1x64x32x224xf32, #tpu.memory_space<vmem>>, vector<1x1x32x224xf32>,
    %get3A_1948 = arith.constant 0 : index
    %get3A_1949 = arith.constant 0 : index
    %get3A_1950 = arith.constant 208 : index
    %get3A_1951 = arith.constant 0 : index
    %get3A_1952 = vector.load %arg2[%get3A_1948, %get3A_1949, %get3A_1950, %get3A_1951] : memref<1x32x224x224xf32, #tpu.memory_space<vmem>>, vector<1x32x1x224xf32>
    %get3A_1953 = vector.shape_cast %get3A_1952 : vector<1x32x1x224xf32> to vector<32x224xf32>
    %swap3A_1954 = arith.constant 0 : index
    %swap3A_1955 = arith.constant 59 : index
    %swap3A_1956 = arith.constant 0 : index
    %swap3A_1957 = arith.constant 0 : index
    %swap3A_1958 = vector.load %arg4[%swap3A_1954, %swap3A_1955, %swap3A_1956, %swap3A_1957] : memref<1x64x32x224xf32, #tpu.memory_space<vmem>>, vector<1x1x32x224xf32>
    %swap3A_1959 = vector.shape_cast %swap3A_1958 : vector<1x1x32x224xf32> to vector<32x224xf32>
    %swap3A_1960 = vector.shape_cast %get3A_1953 : vector<32x224xf32> to vector<1x1x32x224xf32>
    tpu.vector_store %arg4[%swap3A_1954, %swap3A_1955, %swap3A_1956, %swap3A_1957], %swap3A_1960 {strides = array<i32>} : memref<1x64x32x224xf32, #tpu.memory_space<vmem>>, vector<1x1x32x224xf32>,
    %get3A_1961 = arith.constant 0 : index
    %get3A_1962 = arith.constant 0 : index
    %get3A_1963 = arith.constant 212 : index
    %get3A_1964 = arith.constant 0 : index
    %get3A_1965 = vector.load %arg2[%get3A_1961, %get3A_1962, %get3A_1963, %get3A_1964] : memref<1x32x224x224xf32, #tpu.memory_space<vmem>>, vector<1x32x1x224xf32>
    %get3A_1966 = vector.shape_cast %get3A_1965 : vector<1x32x1x224xf32> to vector<32x224xf32>
    %swap3A_1967 = arith.constant 0 : index
    %swap3A_1968 = arith.constant 60 : index
    %swap3A_1969 = arith.constant 0 : index
    %swap3A_1970 = arith.constant 0 : index
    %swap3A_1971 = vector.load %arg4[%swap3A_1967, %swap3A_1968, %swap3A_1969, %swap3A_1970] : memref<1x64x32x224xf32, #tpu.memory_space<vmem>>, vector<1x1x32x224xf32>
    %swap3A_1972 = vector.shape_cast %swap3A_1971 : vector<1x1x32x224xf32> to vector<32x224xf32>
    %swap3A_1973 = vector.shape_cast %get3A_1966 : vector<32x224xf32> to vector<1x1x32x224xf32>
    tpu.vector_store %arg4[%swap3A_1967, %swap3A_1968, %swap3A_1969, %swap3A_1970], %swap3A_1973 {strides = array<i32>} : memref<1x64x32x224xf32, #tpu.memory_space<vmem>>, vector<1x1x32x224xf32>,
    %get3A_1974 = arith.constant 0 : index
    %get3A_1975 = arith.constant 0 : index
    %get3A_1976 = arith.constant 215 : index
    %get3A_1977 = arith.constant 0 : index
    %get3A_1978 = vector.load %arg2[%get3A_1974, %get3A_1975, %get3A_1976, %get3A_1977] : memref<1x32x224x224xf32, #tpu.memory_space<vmem>>, vector<1x32x1x224xf32>
    %get3A_1979 = vector.shape_cast %get3A_1978 : vector<1x32x1x224xf32> to vector<32x224xf32>
    %swap3A_1980 = arith.constant 0 : index
    %swap3A_1981 = arith.constant 61 : index
    %swap3A_1982 = arith.constant 0 : index
    %swap3A_1983 = arith.constant 0 : index
    %swap3A_1984 = vector.load %arg4[%swap3A_1980, %swap3A_1981, %swap3A_1982, %swap3A_1983] : memref<1x64x32x224xf32, #tpu.memory_space<vmem>>, vector<1x1x32x224xf32>
    %swap3A_1985 = vector.shape_cast %swap3A_1984 : vector<1x1x32x224xf32> to vector<32x224xf32>
    %swap3A_1986 = vector.shape_cast %get3A_1979 : vector<32x224xf32> to vector<1x1x32x224xf32>
    tpu.vector_store %arg4[%swap3A_1980, %swap3A_1981, %swap3A_1982, %swap3A_1983], %swap3A_1986 {strides = array<i32>} : memref<1x64x32x224xf32, #tpu.memory_space<vmem>>, vector<1x1x32x224xf32>,
    %get3A_1987 = arith.constant 0 : index
    %get3A_1988 = arith.constant 0 : index
    %get3A_1989 = arith.constant 219 : index
    %get3A_1990 = arith.constant 0 : index
    %get3A_1991 = vector.load %arg2[%get3A_1987, %get3A_1988, %get3A_1989, %get3A_1990] : memref<1x32x224x224xf32, #tpu.memory_space<vmem>>, vector<1x32x1x224xf32>
    %get3A_1992 = vector.shape_cast %get3A_1991 : vector<1x32x1x224xf32> to vector<32x224xf32>
    %swap3A_1993 = arith.constant 0 : index
    %swap3A_1994 = arith.constant 62 : index
    %swap3A_1995 = arith.constant 0 : index
    %swap3A_1996 = arith.constant 0 : index
    %swap3A_1997 = vector.load %arg4[%swap3A_1993, %swap3A_1994, %swap3A_1995, %swap3A_1996] : memref<1x64x32x224xf32, #tpu.memory_space<vmem>>, vector<1x1x32x224xf32>
    %swap3A_1998 = vector.shape_cast %swap3A_1997 : vector<1x1x32x224xf32> to vector<32x224xf32>
    %swap3A_1999 = vector.shape_cast %get3A_1992 : vector<32x224xf32> to vector<1x1x32x224xf32>
    tpu.vector_store %arg4[%swap3A_1993, %swap3A_1994, %swap3A_1995, %swap3A_1996], %swap3A_1999 {strides = array<i32>} : memref<1x64x32x224xf32, #tpu.memory_space<vmem>>, vector<1x1x32x224xf32>,
    %get3A_2000 = arith.constant 0 : index
    %get3A_2001 = arith.constant 0 : index
    %get3A_2002 = arith.constant 223 : index
    %get3A_2003 = arith.constant 0 : index
    %get3A_2004 = vector.load %arg2[%get3A_2000, %get3A_2001, %get3A_2002, %get3A_2003] : memref<1x32x224x224xf32, #tpu.memory_space<vmem>>, vector<1x32x1x224xf32>
    %get3A_2005 = vector.shape_cast %get3A_2004 : vector<1x32x1x224xf32> to vector<32x224xf32>
    %swap3A_2006 = arith.constant 0 : index
    %swap3A_2007 = arith.constant 63 : index
    %swap3A_2008 = arith.constant 0 : index
    %swap3A_2009 = arith.constant 0 : index
    %swap3A_2010 = vector.load %arg4[%swap3A_2006, %swap3A_2007, %swap3A_2008, %swap3A_2009] : memref<1x64x32x224xf32, #tpu.memory_space<vmem>>, vector<1x1x32x224xf32>
    %swap3A_2011 = vector.shape_cast %swap3A_2010 : vector<1x1x32x224xf32> to vector<32x224xf32>
    %swap3A_2012 = vector.shape_cast %get3A_2005 : vector<32x224xf32> to vector<1x1x32x224xf32>
    tpu.vector_store %arg4[%swap3A_2006, %swap3A_2007, %swap3A_2008, %swap3A_2009], %swap3A_2012 {strides = array<i32>} : memref<1x64x32x224xf32, #tpu.memory_space<vmem>>, vector<1x1x32x224xf32>,
    return
  }
  func.func @transform_0(%arg0: i32, %arg1: i32) -> (i32, i32, i32, i32) {
    %c0_i32 = arith.constant 0 : i32
    %c0_i32_0 = arith.constant 0 : i32
    %c0_i32_1 = arith.constant 0 : i32
    return %arg0, %arg1, %c0_i32, %c0_i32_0 : i32, i32, i32, i32
  }
  func.func @transform_1(%arg0: i32, %arg1: i32) -> (i32, i32, i32, i32) {
    %c0_i32 = arith.constant 0 : i32
    %c0_i32_0 = arith.constant 0 : i32
    %c0_i32_1 = arith.constant 0 : i32
    return %arg0, %c0_i32, %arg1, %c0_i32_0 : i32, i32, i32, i32
  }
  func.func @transform_2(%arg0: i32, %arg1: i32) -> (i32, i32, i32, i32) {
    %c0_i32 = arith.constant 0 : i32
    %c0_i32_0 = arith.constant 0 : i32
    %c0_i32_1 = arith.constant 0 : i32
    return %arg0, %c0_i32, %arg1, %c0_i32_0 : i32, i32, i32, i32
  }
}

</mosaic_0001>

<sc_bundles>
// kernel: kernel.4.cloned.1.call-start
scs
__scs_entry_jumppad:
0x0: {  	(pc) =	sbr.rel $0x88, $3  }
0x1: {  	(tag) =	ssettag $0x0;
	lr =	simm.s32 $0x1  }
0x2: {  	[smem:$0x3FA0] =	sst lr;
	_ =	strace $0xD0000000  }
0x3: {  	_ = 	snop  }
0x4: {  	_ = 	snop  }
0x5: {  	_ = 	snop  }
0x6: {  	_ = 	snop  }
0x7: {  	_ = 	snop  }
__scs_overlays_trampoline_lowered:
0x8: {  	[smem:$0x3FAF] =	sst s0  }
0x9: {  	[smem:$0x3FB0] =	sst s1  }
0xa: {  	[smem:$0x3FB1] =	sst s2  }
0xb: {  	[smem:$0x3FB2] =	sst s3  }
0xc: {  	[smem:$0x3FB3] =	sst s4  }
0xd: {  	[smem:$0x3FB4] =	sst s5  }
0xe: {  	[smem:$0x3FB5] =	sst s6  }
0xf: {  	[smem:$0x3FB6] =	sst s7  }
0x10: {  	[smem:$0x3FB7] =	sst s8  }
0x11: {  	[smem:$0x3FB8] =	sst s9;
	s0 =	simm.s32 @!p0 $0x0  }
0x12: {  	s1 =	sld [smem:$0x3F9E];
	s0 =	simm.s32 @p0 $0x1  }
0x13: {  	[smem:$0x3FB9] =	sst s0;
	s0 =	simm.s32 @!p1 $0x0  }
0x14: {  	s2 =	sld [smem:$0x3F9D];
	s0 =	simm.s32 @p1 $0x1  }
0x15: {  	[smem:$0x3FBA] =	sst s0;
	s0 =	simm.s32 @!p2 $0x0  }
0x16: {  	s3 =	sld [smem:$0x3FDB];
	s0 =	simm.s32 @p2 $0x1  }
0x17: {  	s4 =	simm.s32 $0x1BF5;
	[smem:$0x3FBC] =	sst s0  }
0x18: {  	s0 =	sld [smem:$0x3F9F];
	_ =	swait.ge [sflag:s4], $0x0  }
0x19: {  	s7 =	sld [smem:$0x3FA0]  }
0x1a: {  	s8 =	sadd.s32 $0xFFFFE003, lr  }
0x1b: {  	s9 =	sadd.s32 $0xFFFFFEF7, lr;
	s5 =	simm.s32 $0xFFFFFFFF;
	p2 =	slt.u32 s8, $0xFFFFF086  }
0x1c: {  	p1 =	slt.u32 s9, $0xF7A;
	s5 =	simm.s32 @!p2 $0x0  }
0x1d: {  	s5 =	simm.s32 @p1 $0x1;
	p0 =	seq.s32 s7, s2  }
0x1e: {  	s7 =	smul.u32 @!p0 $0xF7A, s2;
	p2 =	seq.s32 @!p0 s5, $0x0  }
0x1f: {  	s9 =	smul.u32 $0xF7A, s1;
	s8 =	simm.s32 @!p0 $0x1BF5;
	p2 =	por !p2, p0  }
0x20: {  	[sflag:s8] =	ssyncset.s32 @!p0 $0xFFFFF086;
	s6 =	sadd.s32 @!p0 s3, s7;
	s7 =	simm.s32 @!p0 $0x108  }
0x21: {  	s3 =	sadd.s32 s3, s9;
	s6 =	sadd.s32 @!p0 $0x88, s6;
	s7 =	simm.s32 @p2 $0x1082  }
0x22: {  	[simem:s7], [sflag:s8] =	dma.local @!p0 [hbm:s6], $0xF7A  }
0x23: {  	s9 =	sor.u32 $0xD0000000, s2;
	s6 =	simm.s32 $0x108;
	_ =	swait.ge @!p0 [sflag:s8], $0x0  }
0x24: {  	s3 =	sadd.s32 $0x88, s3;
	s6 =	simm.s32 @!p1 $0x1082;
	[sflag:s4] =	ssyncset.s32 $0xFFFFF086  }
0x25: {  	[simem:s6], [sflag:s4] =	dma.local [hbm:s3], $0xF7A  }
0x26: {  	[smem:$0x3FA0] =	sst s1;
	(tag) =	ssettag s2;
	_ =	strace s9  }
0x27: {  	s1 =	sld [smem:$0x3FB0]  }
0x28: {  	s2 =	sld [smem:$0x3FB1]  }
0x29: {  	s4 =	sld [smem:$0x3FB3]  }
0x2a: {  	p0 =	seq.s32 s5, $0x0;
	s5 =	sld [smem:$0x3FB4]  }
0x2b: {  	s6 =	sld [smem:$0x3FB5]  }
0x2c: {  	s7 =	sld [smem:$0x3FB6]  }
0x2d: {  	s3 =	simm.s32 $0x108;
	s8 =	sld [smem:$0x3FB7]  }
0x2e: {  	s3 =	simm.s32 @!p0 $0x1082;
	s9 =	sld [smem:$0x3FB8]  }
0x2f: {  	lr =	sadd.s32 s0, s3;
	s0 =	sld [smem:$0x3FAF]  }
0x30: {  	s3 =	sld [smem:$0x3FB2]  }
0x31: {  	[smem:$0x3FBB] =	sst s10  }
0x32: {  	s10 =	sld [smem:$0x3FB9];
	_ =	sdelay $0x3  }
0x33: {  	p0 =	seq.s32 s10, $0x1;
	s10 =	sld [smem:$0x3FBB];
	_ =	sdelay $0x3  }
0x34: {  	[smem:$0x3FBB] =	sst s10  }
0x35: {  	s10 =	sld [smem:$0x3FBA];
	_ =	sdelay $0x3  }
0x36: {  	p1 =	seq.s32 s10, $0x1;
	s10 =	sld [smem:$0x3FBB];
	_ =	sdelay $0x3  }
0x37: {  	[smem:$0x3FBB] =	sst s10  }
0x38: {  	s10 =	sld [smem:$0x3FBC]  }
0x39: {  	_ = 	snop;
	(pc) =	sbr.ind lr, $3  }
0x3a: {  	_ = 	snop  }
0x3b: {  	_ = 	snop  }
0x3c: {  	p2 =	seq.s32 s10, $0x1;
	s10 =	sld [smem:$0x3FBB]  }
0x3d: {  	_ =	shalt  }
0x3e: {  	_ =	shalt  }
0x3f: {  	_ =	shalt  }
0x40: {  	_ =	shalt  }
0x41: {  	_ =	shalt  }
0x42: {  	_ =	shalt  }
0x43: {  	_ =	shalt  }
0x44: {  	_ =	shalt  }
0x45: {  	_ =	shalt  }
0x46: {  	_ =	shalt  }
0x47: {  	_ =	shalt  }
0x48: {  	_ =	shalt  }
0x49: {  	_ =	shalt  }
0x4a: {  	_ =	shalt  }
0x4b: {  	_ =	shalt  }
0x4c: {  	_ =	shalt  }
0x4d: {  	_ =	shalt  }
0x4e: {  	_ =	shalt  }
0x4f: {  	_ =	shalt  }
0x50: {  	_ =	shalt  }
0x51: {  	_ =	shalt  }
0x52: {  	_ =	shalt  }
0x53: {  	_ =	shalt  }
0x54: {  	_ =	shalt  }
0x55: {  	_ =	shalt  }
0x56: {  	_ =	shalt  }
0x57: {  	_ =	shalt  }
0x58: {  	_ =	shalt  }
0x59: {  	_ =	shalt  }
0x5a: {  	_ =	shalt  }
0x5b: {  	_ =	shalt  }
0x5c: {  	_ =	shalt  }
0x5d: {  	_ =	shalt  }
0x5e: {  	_ =	shalt  }
0x5f: {  	_ =	shalt  }
0x60: {  	_ =	shalt  }
0x61: {  	_ =	shalt  }
0x62: {  	_ =	shalt  }
0x63: {  	_ =	shalt  }
0x64: {  	_ =	shalt  }
0x65: {  	_ =	shalt  }
0x66: {  	_ =	shalt  }
0x67: {  	_ =	shalt  }
0x68: {  	_ =	shalt  }
0x69: {  	_ =	shalt  }
0x6a: {  	_ =	shalt  }
0x6b: {  	_ =	shalt  }
0x6c: {  	_ =	shalt  }
0x6d: {  	_ =	shalt  }
0x6e: {  	_ =	shalt  }
0x6f: {  	_ =	shalt  }
0x70: {  	_ =	shalt  }
0x71: {  	_ =	shalt  }
0x72: {  	_ =	shalt  }
0x73: {  	_ =	shalt  }
0x74: {  	_ =	shalt  }
0x75: {  	_ =	shalt  }
0x76: {  	_ =	shalt  }
0x77: {  	_ =	shalt  }
0x78: {  	_ =	shalt  }
0x79: {  	_ =	shalt  }
0x7a: {  	_ =	shalt  }
0x7b: {  	_ =	shalt  }
0x7c: {  	_ =	shalt  }
0x7d: {  	_ =	shalt  }
0x7e: {  	_ =	shalt  }
0x7f: {  	_ =	shalt  }
0x80: {  	_ =	shalt  }
0x81: {  	_ =	shalt  }
0x82: {  	_ =	shalt  }
0x83: {  	_ =	shalt  }
0x84: {  	_ =	shalt  }
0x85: {  	_ =	shalt  }
0x86: {  	_ =	shalt  }
0x87: {  	_ =	shalt  }
.Lfunc_end0:
.L_simem_size_0:
called_computation_lowered:
.L_overlay_start_0:
0x88: {  	s2 =	sld [smem:$0x3FD9]  }
0x89: {  	s3 =	sld [smem:$0x3FFE];
	_ =	sdelay $0x1  }
0x8a: {  	s1 =	srdreg.scid  }
0x8b: {  	s0 =	sand.u32 $0x1, s1  }
0x8c: {  	s14 =	sshll.u32 s0, $0xA;
	s2 =	sadd.s32 s3, s2  }
0x8d: {  	s2 =	sadd.s32 s2, s14  }
0x8e: {  	[smem:$0x3FC7] =	sst s2  }
0x8f: {  	_ = 	snop  }
0x90: {  	s2 =	sld [smem:$0x3FD0];
	_ =	sdelay $0x2  }
0x91: {  	s15 =	simm.s32 $0xA;
	s4 =	simm.s32 $0x10  }
0x92: {  	[smem:s4], [sflag:s15] =	dma.local [hbm:s2], $0x1  }
0x93: {  	_ =	swait.eq [sflag:s15], $0x1  }
0x94: {  	[sflag:s15] =	ssyncset.done $0x0  }
0x95: {  	[sflag:s15] =	ssyncadd.s32 $0xFFFFFFFF  }
0x96: {  	s16 =	sld [smem:$0x10];
	(tm) =	ssettm $0x1  }
0x97: {  	s17 =	sld [smem:$0x3FFB];
	_ =	sdelay $0x3  }
0x98: {  	_ =	strace s17  }
0x99: {  	s3 =	sld [smem:$0x3FFC];
	_ =	sdelay $0x3  }
0x9a: {  	_ =	strace s3  }
0x9b: {  	s3 =	sld [smem:$0x3FFD];
	_ =	sdelay $0x3  }
0x9c: {  	_ =	strace s3  }
0x9d: {  	_ =	strace $0x8FFFFFFF  }
0x9e: {  	s18 =	sld [smem:$0x3FDB];
	_ =	sdelay $0x1  }
0x9f: {  	s19 =	simm.s32 $_scs_section_size  }
0xa0: {  	s5 =	simm.s32 $_size__tile_overlayer_lowered;
	s6 =	simm.s32 $_tile_overlayer_lowered  }
0xa1: {  	s22 =	simm.s32 $0x1BFF;
	s21 =	sshll.u32 s6, $0x1;
	s3 =	sadd.s32 s19, s18  }
0xa2: {  	s7 =	simm.s32 $0x0;
	s20 =	sshll.u32 s5, $0x1;
	s5 =	sadd.s32 s21, s3  }
0xa3: {  	[timem:s7], [sflag:s22] =	dma.local [hbm:s5], s20  }
0xa4: {  	_ =	swait.ge [sflag:s22], s20  }
0xa5: {  	s4 =	ssub.s32 $0x0, s20;
	[sflag:s22] =	ssyncset.done $0x0  }
0xa6: {  	[sflag:s22] =	ssyncadd.s32 s4;
	_ =	sdelay $0x1  }
0xa7: {  	s23 =	simm.s32 $0x1B8B  }
0xa8: {  	_ =	swait.ge [sflag:s23], $0x1  }
0xa9: {  	[sflag:s23] =	ssyncset.done $0x0  }
0xaa: {  	s25 =	simm.s32 $0x1B8E;
	s24 =	sld [smem:$0x3FFE];
	[sflag:s23] =	ssyncadd.s32 $0xFFFFFFFF  }
0xab: {  	s26 =	simm.s32 $execute0_lowered;
	[smem:$0x3FD2] =	sst s25  }
0xac: {  	s5 =	sshll.u32 s26, $0x1;
	_ =	strace $0x80000046;
	[dreg:$0x1] =	wrdreg $0xFFFFFFFF  }
0xad: {  	s28 =	simm.s32 $_size_execute0_lowered;
	s3 =	sadd.s32 s3, s5;
	[dreg:$0x0] =	wrdreg $0x0  }
0xae: {  	s5 =	sshll.u32 s28, $0x1;
	[dreg:$0x2] =	wrdreg s3  }
0xaf: {  	[dreg:$0x3] =	wrdreg s5  }
0xb0: {  	[dreg:$0x4] =	wrdreg $0xC0  }
0xb1: {  	_ =	task [dreg:s7], $0x5FFFF  }
0xb2: {  	[dreg:$0x1] =	wrdreg $0xFFFFFFFF  }
0xb3: {  	[dreg:$0x0] =	wrdreg $0x60  }
0xb4: {  	[dreg:$0x2] =	wrdreg s24  }
0xb5: {  	[dreg:$0x3] =	wrdreg s16  }
0xb6: {  	[dreg:$0x4] =	wrdreg $0x9  }
0xb7: {  	_ =	task.clear_ibuf [dreg:s7], $0x5FFFF;
	_ =	strace $0x90000046  }
0xb8: {  	s29 =	simm.s32 $0x9;
	_ =	strace $0x80000048  }
0xb9: {  	_ =	swait.ge [sflag:s29], $0x1  }
0xba: {  	[sflag:s29] =	ssyncadd.s32 $0xFFFFFFFF  }
0xbb: {  	_ =	strace $0x90000048  }
0xbc: {  	_ =	sfence  }
0xbd: {  	s30 =	sld [smem:$0x0];
	_ =	sdelay $0x2  }
0xbe: {  	s31 =	sshll.u32 s1, $0xD;
	s1 =	sshrl.u32 s1, $0x2  }
0xbf: {  	s3 =	sand.u32 $0x4000, s31;
	s1 =	sadd.s32 s1, s30  }
0xc0: {  	s0 =	sor.u32 s3, s0;
	s1 =	sshll.u32 s1, $0x11  }
0xc1: {  	s0 =	sor.u32 s1, s0  }
0xc2: {  	s0 =	sadd.s32 $0x8F2B, s0  }
0xc3: {  	[sflag:s0] =	ssyncadd.remote.s32 $0x1  }
0xc4: {  	_ =	sfence.sel $0xFFFF  }
0xc5: {  	[dreg:$0x0] =	wrdreg $0xFFFFFFFF;
	(pc) =	sbr.abs _section_cstart, $3  }
0xc6: {  	[dreg:$0x1] =	wrdreg $0xFFFFFFFF  }
0xc7: {  	_ =	task.clear_ibuf [dreg:s7], $0x2FFFF;
	_ =	strace $0x9FFFFFFF  }
0xc8: {  	(tm) =	ssettm $0x7FFFFFFF  }
0xc9: {  	_ =	shalt  }
tec
execute0_lowered:
.L_overlay_start_1:
0x0: {  	(tag) =	ssettag $0x1  }
0x1: {  	s3 =	rddreg [dreg:$0x0]  }
0x2: {  	s8 =	rddreg [dreg:$0x1];
	s1 =	stileid.u32  }
0x3: {  	s0 =	rddreg [dreg:$0x2];
	s4 =	sshrl.u32 s1, $0x2  }
0x4: {  	s5 =	srdreg.scid;
	s7 =	sand.u32 $0x3, s1;
	s6 =	smul.u32 $0x380000, s4  }
0x5: {  	s2 =	simm.s32 $0x0;
	s5 =	sand.u32 $0x1, s5;
	s9 =	smul.u32 $0xE0000, s7  }
0x6: {  	[smem:$0x7FF] =	sst s2;
	s11 =	smul.u32 $0x70000, s5  }
0x7: {  	s3 =	sadd.s32 $0x600, s3;
	_ =	strace $0x80000047;
	s4 =	smul.u32 $0x700000, s4  }
0x8: {  	s10 =	ssub.s32 $0x2, s5;
	s5 =	smul.u32 $0xE0000, s5;
	s6 =	sadd.s32 s9, s6  }
0x9: {  	s7 =	smul.u32 $0x1C0000, s7;
	s29 =	sshrl.u32 s10, $0x1;
	s30 =	sadd.s32 s11, s6  }
0xa: {  	s9 =	ssub.s32 s10, s29;
	s10 =	simm.s32 $0x0;
	s31 =	sshrl.u32 s30, $0x3  }
0xb: {  	s6 =	smax.u32 s9, $0x1;
	s9 =	simm.s32 $0x1;
	s8 =	sadd.s32 s31, s8  }
.LBB2_1:
0xc: {  	s11 =	sadd.s32 s7, s5  }
0xd: {  	p0 =	seq.s32 s11, $0x6E4000  }
0xe: {  	s11 =	simm.s32 @p0 $0x6F2000  }
0xf: {  	s12 =	sadd.s32 $0x1C000, s7;
	s11 =	sadd.s32 s4, s11  }
0x10: {  	s14 =	sadd.s32 s12, s5;
	s11 =	sshrl.u32 s11, $0x3  }
0x11: {  	s13 =	simm.s32 $0x3800;
	p0 =	seq.s32 s14, $0x6E4000;
	s11 =	sadd.s32 s3, s11  }
0x12: {  	[tilespmem:s2], [sflag:$0x1] =	stream.linear.gather [hbm4b:s11+s2], $0xE000, $0x38;
	[tilespmem:$0xE000] =	vst v63  }
0x13: {  	s15 =	sadd.s32 $0x0, s8;
	s14 =	simm.s32 @p0 $0x6F2000;
	_ =	swait.ge [sflag:s9], $0xE000  }
0x14: {  	s14 =	sadd.s32 s4, s14;
	s11 =	simm.s32 $0x1C00;
	[sflag:s9] =	ssyncset.done $0x0  }
.LBB2_2:
0x15: {  	p0 =	sne.s32 s13, $0xC400;
	s14 =	sshrl.u32 s14, $0x3  }
0x16: {  	[sflag:s9] =	ssyncadd.s32 $0xFFFF2000;
	s16 =	smov.u32 s11;
	s11 =	smov.u32 s13  }
0x17: {  	[hbm4b:s15+s2] =	stream.linear.scatter [tilespmem:s2], [sflag:$0x1], $0xE000, $0x38;
	[tilespmem:$0xE000] =	vst v63  }
0x18: {  	s13 =	sadd.s32 $0x1C00, s13;
	s12 =	sadd.s32 $0x1C000, s12;
	_ =	swait.ge [sflag:s9], $0xE000  }
0x19: {  	s15 =	sadd.s32 s12, s5;
	[sflag:s9] =	ssyncset.done $0x0  }
.Ltmp0:
0x1a: {  	s14 =	sadd.s32 s3, s14;
	[sflag:s9] =	ssyncadd.s32 $0xFFFF2000;
	(pc) =	sbr.rel @p0 .LBB2_2-.Ltmp0, $4  }
0x1b: {  	[tilespmem:s2], [sflag:$0x1] =	stream.linear.gather [hbm4b:s14+s2], $0xE000, $0x38;
	[tilespmem:$0xE000] =	vst v63  }
0x1c: {  	p1 =	seq.s32 s15, $0x6E4000  }
0x1d: {  	s15 =	simm.s32 @p1 $0x6F2000;
	_ =	swait.ge [sflag:s9], $0xE000  }
0x1e: {  	s14 =	sadd.s32 s4, s15;
	s15 =	sadd.s32 s16, s8;
	[sflag:s9] =	ssyncset.done $0x0  }
0x1f: {  	[sflag:s9] =	ssyncadd.s32 $0xFFFF2000  }
0x20: {  	[hbm4b:s15+s2] =	stream.linear.scatter [tilespmem:s2], [sflag:$0x1], $0xE000, $0x38;
	[tilespmem:$0xE000] =	vst v63  }
0x21: {  	_ =	swait.ge [sflag:s9], $0xE000  }
0x22: {  	s12 =	sshrl.u32 s14, $0x3;
	[sflag:s9] =	ssyncset.done $0x0  }
0x23: {  	s12 =	sadd.s32 s3, s12;
	[sflag:s9] =	ssyncadd.s32 $0xFFFF2000  }
0x24: {  	[tilespmem:s2], [sflag:$0x1] =	stream.linear.gather [hbm4b:s12+s2], $0xE000, $0x38;
	[tilespmem:$0xE000] =	vst v63  }
0x25: {  	s10 =	sadd.s32 $0x1, s10;
	_ =	swait.ge [sflag:s9], $0xE000  }
0x26: {  	p0 =	sne.s32 s10, s6;
	[sflag:s9] =	ssyncset.done $0x0  }
.Ltmp1:
0x27: {  	s11 =	sadd.s32 s11, s8;
	[sflag:s9] =	ssyncadd.s32 $0xFFFF2000;
	(pc) =	sbr.rel @p0 .LBB2_1-.Ltmp1, $4  }
0x28: {  	[hbm4b:s11+s2] =	stream.linear.scatter [tilespmem:s2], [sflag:$0x1], $0xE000, $0x38;
	[tilespmem:$0xE000] =	vst v63  }
0x29: {  	_ =	swait.ge [sflag:s9], $0xE000  }
0x2a: {  	[sflag:s9] =	ssyncset.done $0x0  }
0x2b: {  	[sflag:s9] =	ssyncadd.s32 $0xFFFF2000  }
0x2c: {  	_ =	sfence.sel $0x180000  }
0x2d: {  	[bflag:$0x0] =	sbarrier.arrive $0xFFFF  }
0x2e: {  	p0 =	sne.s32 s1, $0x0;
	_ =	strace $0x90000047  }
0x2f: {  	s0 =	sadd.s32 @!p0 $0x100000, s0;
	[bflag:$0x2] =	sbarrier.arrive $0xFFFF  }
0x30: {  	[sflag:s0] =	ssyncadd.tile.s32 @!p0 $0x1;
	_ =	shalt  }
.Lfunc_end2:
_tile_overlayer_lowered:
.L_overlay_start_2:
0x31: {  	(tag) =	ssettag $0x2  }
0x32: {  	s0 =	rddreg [dreg:$0x0];
	s2 =	stileid.u32  }
0x33: {  	s1 =	rddreg [dreg:$0x1];
	p0 =	sne.s32 s2, $0x0  }
0x34: {  	s3 =	rddreg [dreg:$0x2];
	[bflag:$0x3] =	sbarrier.arrive $0xFFFF;
	s2 =	simm.s32 @!p0 $0x1C01  }
0x35: {  	[timem:s3], [sflag:s2] =	dma.local @!p0 [hbm:s0], s1  }
0x36: {  	s0 =	simm.s32 @!p0 $0x1  }
0x37: {  	_ =	swait.ge @!p0 [sflag:s0], s1  }
0x38: {  	s1 =	ssub.s32 @!p0 $0x0, s1;
	[sflag:s0] =	ssyncset.done @!p0 $0x0  }
0x39: {  	[sflag:s0] =	ssyncadd.s32 @!p0 s1  }
0x3a: {  	[bflag:$0x3] =	sbarrier.arrive $0xFFFF  }
0x3b: {  	_ =	shalt  }

</sc_bundles>
